<compile_context>
chip_gen: v7x
topology: tpu7x:2x2x1
jax: 0.10.2.dev20260603
libtpu: 0.0.44.dev20260713+nightly
codegen_flags: <defaults>
</compile_context>

<pallas_src>
import functools

import numpy as np

import jax
import jax.numpy as jnp
from jax import lax
from jax.experimental import pallas as pl
from jax.experimental.pallas import tpu as pltpu
from jax.experimental.pallas import tpu_sc as plsc

N = 10000
NPAD = 10240
E = 320000
NC = 2
NS = 16
NW = NC * NS
K = 96
NCH = 106
EPWP = NCH * K
EPAD = NW * EPWP
RPS = NPAD // NS

_mesh = plsc.VectorSubcoreMesh(
    core_axis_name="c", subcore_axis_name="s", num_cores=NC, num_subcores=NS)


def _wid():
    return lax.axis_index("s") * NC + lax.axis_index("c")


def _sc_deg_body(dst_r, ones_r, zeros_r, out_r, didx_v, ones_v, acc, ssem):
    c = lax.axis_index("c")
    s = lax.axis_index("s")
    w = _wid()
    pltpu.sync_copy(zeros_r.at[pl.ds(s * RPS, RPS)], acc.at[pl.ds(s * RPS, RPS)])
    pltpu.sync_copy(ones_r, ones_v)
    pltpu.sync_copy(dst_r.at[w], didx_v)
    plsc.subcore_barrier()

    def scat(j):
        pltpu.async_copy(ones_v, acc.at[didx_v.at[j]], ssem, add=True)

    def swait(j):
        pltpu.make_async_copy(ones_v, acc.at[didx_v.at[j]], ssem).wait()

    scat(0)
    scat(1)
    scat(2)

    def group(g, carry):
        j = 2 * g
        scat(j + 3)
        swait(j)
        scat(j + 4)
        swait(j + 1)
        return carry

    lax.fori_loop(0, (NCH - 4) // 2, group, 0)
    scat(NCH - 1)
    for j in range(NCH - 4, NCH):
        swait(j)
    plsc.subcore_barrier()
    pltpu.sync_copy(acc.at[pl.ds(s * RPS, RPS), pl.ds(0, 16)],
                    out_r.at[c, pl.ds(s * RPS, RPS)])


_sc_deg = pl.kernel(
    _sc_deg_body,
    out_type=jax.ShapeDtypeStruct((NC, NPAD, 16), jnp.int32),
    mesh=_mesh,
    compiler_params=pltpu.CompilerParams(use_tc_tiling_on_sc=False),
    scratch_types=[
        pltpu.VMEM((NCH, K), jnp.int32),
        pltpu.VMEM((K, 64), jnp.int32),
        pltpu.VMEM_SHARED((NPAD, 64), jnp.int32),
        pltpu.SemaphoreType.DMA,
    ],
)


def _sc_agg_body(src_r, dst_r, y_r, zeros_r, out_r,
                 sidx_v, didx_v, r0, r1, acc, ssem):
    c = lax.axis_index("c")
    s = lax.axis_index("s")
    w = _wid()
    pltpu.sync_copy(zeros_r.at[pl.ds(s * RPS, RPS)], acc.at[pl.ds(s * RPS, RPS)])
    pltpu.sync_copy(src_r.at[w, 0], sidx_v)
    pltpu.sync_copy(dst_r.at[w], didx_v)
    plsc.subcore_barrier()

    def scat(j, buf):
        pltpu.async_copy(buf, acc.at[didx_v.at[j]], ssem, add=True)

    def swait(j, buf):
        pltpu.make_async_copy(buf, acc.at[didx_v.at[j]], ssem).wait()

    def gath(j, buf):
        pltpu.sync_copy(y_r.at[sidx_v.at[pl.ds(j * K, K)]], buf)

    gath(0, r0)

    def group(g, carry):
        j = 2 * g
        scat(j, r0)
        gath(j + 1, r1)
        swait(j, r0)
        scat(j + 1, r1)
        gath(j + 2, r0)
        swait(j + 1, r1)
        return carry

    lax.fori_loop(0, NCH // 2 - 1, group, 0)
    j = NCH - 2
    scat(j, r0)
    gath(j + 1, r1)
    swait(j, r0)
    scat(j + 1, r1)
    swait(j + 1, r1)

    plsc.subcore_barrier()
    pltpu.sync_copy(acc.at[pl.ds(s * RPS, RPS)], out_r.at[c, pl.ds(s * RPS, RPS)])


def _make_sc_agg(feat, tc_tiling=True):
    params = None
    if not tc_tiling:
        params = pltpu.CompilerParams(use_tc_tiling_on_sc=False)
    return pl.kernel(
        _sc_agg_body,
        out_type=jax.ShapeDtypeStruct((NC, NPAD, feat), jnp.float32),
        mesh=_mesh,
        compiler_params=params,
        scratch_types=[
            pltpu.VMEM((EPWP,), jnp.int32),
            pltpu.VMEM((NCH, K), jnp.int32),
            pltpu.VMEM((K, feat), jnp.float32),
            pltpu.VMEM((K, feat), jnp.float32),
            pltpu.VMEM_SHARED((NPAD, feat), jnp.float32),
            pltpu.SemaphoreType.DMA,
        ],
    )


_sc_agg_128 = _make_sc_agg(128, tc_tiling=False)
_sc_agg_64 = _make_sc_agg(64, tc_tiling=False)


BLK = 2000


def _tc_mm1_body(x_r, w_r, degp_r, y_r, dinv_r):
    cnt = (degp_r[0, :, 0:1] + degp_r[1, :, 0:1]) & 0xFFFF
    deg = 1.0 + cnt.astype(jnp.float32)
    dinv = lax.rsqrt(deg)
    y_r[...] = dinv * jnp.dot(x_r[...], w_r[...],
                              preferred_element_type=jnp.float32)
    dinv_r[...] = dinv


def _tc_mm1(x, w1t, degp):
    return pl.pallas_call(
        _tc_mm1_body,
        grid=(N // BLK,),
        in_specs=[
            pl.BlockSpec((BLK, 128), lambda i: (i, 0)),
            pl.BlockSpec((128, 128), lambda i: (0, 0)),
            pl.BlockSpec((NC, BLK, 16), lambda i: (0, i, 0)),
        ],
        out_specs=[
            pl.BlockSpec((BLK, 128), lambda i: (i, 0)),
            pl.BlockSpec((BLK, 1), lambda i: (i, 0)),
        ],
        out_shape=[
            jax.ShapeDtypeStruct((N, 128), jnp.float32),
            jax.ShapeDtypeStruct((N, 1), jnp.float32),
        ],
    )(x, w1t, degp)


def _tc_l2_body(p_r, y1_r, dinv_r, w_r, y2_r):
    dinv = dinv_r[...]
    h = jnp.maximum(dinv * (p_r[0] + p_r[1] + y1_r[...]), 0.0)
    y2_r[...] = dinv * jnp.dot(h, w_r[...], preferred_element_type=jnp.float32)


def _tc_l2(p, y1, dinv, w2t):
    return pl.pallas_call(
        _tc_l2_body,
        grid=(N // BLK,),
        in_specs=[
            pl.BlockSpec((NC, BLK, 128), lambda i: (0, i, 0)),
            pl.BlockSpec((BLK, 128), lambda i: (i, 0)),
            pl.BlockSpec((BLK, 1), lambda i: (i, 0)),
            pl.BlockSpec((128, 64), lambda i: (0, 0)),
        ],
        out_specs=pl.BlockSpec((BLK, 64), lambda i: (i, 0)),
        out_shape=jax.ShapeDtypeStruct((N, 64), jnp.float32),
    )(p, y1, dinv, w2t)


def _tc_final_body(q_r, y2_r, dinv_r, o_r):
    o_r[...] = dinv_r[...] * (q_r[0] + q_r[1] + y2_r[...])


def _tc_final(q, y2, dinv):
    return pl.pallas_call(
        _tc_final_body,
        grid=(N // BLK,),
        in_specs=[
            pl.BlockSpec((NC, BLK, 64), lambda i: (0, i, 0)),
            pl.BlockSpec((BLK, 64), lambda i: (i, 0)),
            pl.BlockSpec((BLK, 1), lambda i: (i, 0)),
        ],
        out_specs=pl.BlockSpec((BLK, 64), lambda i: (i, 0)),
        out_shape=jax.ShapeDtypeStruct((N, 64), jnp.float32),
    )(q, y2, dinv)


def kernel(x, edge_index, W1, W2):
    dpw = EPWP - E // NW
    dsrc = jnp.asarray(
        (np.arange(NW * dpw, dtype=np.int32) * 57 % N).reshape(NW, dpw))
    ddst = jnp.asarray(
        (N + np.arange(NW * dpw, dtype=np.int32) % (NPAD - N)).reshape(NW, dpw)
        .astype(np.int32))
    src = jnp.concatenate(
        [edge_index[0].reshape(NW, E // NW), dsrc], axis=1)
    dst = jnp.concatenate(
        [edge_index[1].reshape(NW, E // NW), ddst], axis=1)
    src = src.reshape(NW, 1, EPWP)
    dst = dst.reshape(NW, NCH, K)
    zeros = jnp.zeros((NPAD, 128), jnp.float32)
    zeros64 = jnp.zeros((NPAD, 64), jnp.float32)
    zeros_i = jnp.zeros((NPAD, 64), jnp.int32)
    ones = jnp.full((K, 64), 0x00010001, jnp.int32)

    degp = _sc_deg(dst, ones, zeros_i)
    y1, dinv = _tc_mm1(x, W1.T, degp)
    p = _sc_agg_128(src, dst, y1, zeros)
    y2 = _tc_l2(p, y1, dinv, W2.T)
    q = _sc_agg_64(src, dst, y2, zeros64)
    return _tc_final(q, y2, dinv)

# --- scband reference (transcript-rebuilt; emitter-appended) ---
"""Pipeline reference for scband-gcn-63823214018714 (READ-ONLY COPY).

The authoritative reference and input builder live on the scoring server;
editing this copy changes nothing except your own understanding.
"""

import jax, jax.numpy as jnp
import numpy as np

N = 10000
E = 320000
F_IN = 128
F_HID = 128
F_OUT = 64


def _xavier_uniform(key, fan_out, fan_in):
    limit = float(np.sqrt(6.0 / (fan_in + fan_out)))
    return jax.random.uniform(key, (fan_out, fan_in), dtype=jnp.float32, minval=-limit, maxval=limit)


def setup_inputs(seed: int = 0) -> dict:
    key = jax.random.key(seed)
    k1, k2, k3, k4 = jax.random.split(key, 4)
    x = jax.random.normal(k1, (N, F_IN), dtype=jnp.float32)
    edge_index = jax.random.randint(k2, (2, E), 0, N, dtype=jnp.int32)
    W1 = _xavier_uniform(k3, F_HID, F_IN)   # conv1.lin.weight, shape [out, in]
    W2 = _xavier_uniform(k4, F_OUT, F_HID)  # conv2.lin.weight, shape [out, in]
    return {"x": x, "edge_index": edge_index, "W1": W1, "W2": W2}


def gcn_conv(x, edge_index, W):
    # PyG GCNConv (bias=False): add self-loops, symmetric normalization D^-1/2 A D^-1/2,
    # linear transform, then scatter-add aggregation onto dst nodes.
    n = x.shape[0]
    loop = jnp.arange(n, dtype=edge_index.dtype)
    src = jnp.concatenate([edge_index[0], loop])
    dst = jnp.concatenate([edge_index[1], loop])
    xw = x @ W.T
    deg = jnp.zeros((n,), dtype=x.dtype).at[dst].add(1.0)
    dinv = jnp.where(deg > 0, jax.lax.rsqrt(deg), 0.0)
    norm = dinv[src] * dinv[dst]
    msg = xw[src] * norm[:, None]
    out = jnp.zeros((n, xw.shape[1]), dtype=x.dtype).at[dst].add(msg)
    return out


def reference(x, edge_index, W1, W2):
    h = jax.nn.relu(gcn_conv(x, edge_index, W1))
    out = gcn_conv(h, edge_index, W2)
    return out

if __name__ == "__main__":
    import jax
    _d = setup_inputs()
    print(jax.jit(kernel)(*tuple(_d.values())))

</pallas_src>

<mosaic_0001>
#map = affine_map<(d0, d1) -> (0, 0, 0)>
#map1 = affine_map<(d0, d1) -> (0, 0)>
module attributes {stable_mosaic.version = 14 : i64} {
  func.func @_sc_agg_body(%arg0: i32, %arg1: i32, %arg2: memref<32x1x10176xi32, #tpu.memory_space<hbm>>, %arg3: memref<32x106x96xi32, #tpu.memory_space<hbm>>, %arg4: memref<10000x128xf32, #tpu.memory_space<hbm>>, %arg5: memref<10240x128xf32, #tpu.memory_space<hbm>>, %arg6: memref<2x10240x128xf32, #tpu.memory_space<hbm>>, %arg7: memref<10176xi32, #tpu.memory_space<vmem>>, %arg8: memref<106x96xi32, #tpu.memory_space<vmem>>, %arg9: memref<96x128xf32, #tpu.memory_space<vmem>>, %arg10: memref<96x128xf32, #tpu.memory_space<vmem>>, %arg11: memref<10240x128xf32, #tpu.memory_space<vmem_shared>>, %arg12: memref<!tpu.dma_semaphore, #tpu.memory_space<semaphore_mem>>) attributes {dimension_semantics = [#tpu.dimension_semantics<core_parallel>, #tpu.dimension_semantics<subcore_parallel>], iteration_bounds = array<i64: 2, 16>, scalar_prefetch = 0 : i64, scratch_operands = 6 : i64, tpu.core_type = #tpu.core_type<sc_vector_subcore>, window_params = [{transform_indices = #map}, {transform_indices = #map}, {transform_indices = #map1}, {transform_indices = #map1}, {transform_indices = #map}]} {
    %mul3A = arith.constant 2 : i32
    %mul3A_0 = arith.muli %arg1, %mul3A : i32
    %add3A = arith.addi %mul3A_0, %arg0 : i32
    %mul3A_1 = arith.constant 640 : i32
    %mul3A_2 = arith.muli %arg1, %mul3A_1 : i32
    %mul3A_3 = arith.constant 640 : i32
    %mul3A_4 = arith.muli %arg1, %mul3A_3 : i32
    "tpu.region"() ({
      %run_scoped3A_41 = tpu.sem_alloc : memref<!tpu.dma_semaphore, #tpu.memory_space<semaphore_mem>>
      %dma_start3A_42 = arith.constant 0 : i32
      %dma_start3A_43 = tpu.memref_slice %arg11[%mul3A_4, %dma_start3A_42] : memref<10240x128xf32, #tpu.memory_space<vmem_shared>> -> memref<640x128xf32, #tpu.memory_space<vmem_shared>>
      %dma_start3A_44 = arith.constant 0 : i32
      %dma_start3A_45 = tpu.memref_slice %arg5[%mul3A_2, %dma_start3A_44] : memref<10240x128xf32, #tpu.memory_space<hbm>> -> memref<640x128xf32, #tpu.memory_space<hbm>>
      tpu.enqueue_dma source(%dma_start3A_45 : memref<640x128xf32, #tpu.memory_space<hbm>>) target(%dma_start3A_43 : memref<640x128xf32, #tpu.memory_space<vmem_shared>>) target_semaphore(%run_scoped3A_41 : memref<!tpu.dma_semaphore, #tpu.memory_space<semaphore_mem>>)
      %dma_wait3A_46 = arith.constant 0 : i32
      %dma_wait3A_47 = tpu.memref_slice %arg11[%mul3A_4, %dma_wait3A_46] : memref<10240x128xf32, #tpu.memory_space<vmem_shared>> -> memref<640x128xf32, #tpu.memory_space<vmem_shared>>
      %dma_wait3A_48 = arith.constant 0 : i32
      %dma_wait3A_49 = tpu.memref_slice %arg5[%mul3A_2, %dma_wait3A_48] : memref<10240x128xf32, #tpu.memory_space<hbm>> -> memref<640x128xf32, #tpu.memory_space<hbm>>
      tpu.wait_dma2 semaphore(%run_scoped3A_41 : memref<!tpu.dma_semaphore, #tpu.memory_space<semaphore_mem>>) src(%dma_wait3A_49 : memref<640x128xf32, #tpu.memory_space<hbm>>) dst(%dma_wait3A_47 : memref<640x128xf32, #tpu.memory_space<vmem_shared>>)
      tpu.yield
    }) : () -> ()
    %run_scoped3A = arith.constant 0 : i32
    "tpu.region"() ({
      %run_scoped3A_41 = tpu.sem_alloc : memref<!tpu.dma_semaphore, #tpu.memory_space<semaphore_mem>>
      %dma_start3A_42 = arith.constant 0 : i32
      %dma_start3A_43 = tpu.memref_slice %arg2[%add3A, %run_scoped3A, %dma_start3A_42] : memref<32x1x10176xi32, #tpu.memory_space<hbm>> -> memref<1x1x10176xi32, #tpu.memory_space<hbm>>
      %dma_start3A_44 = tpu.memref_squeeze %dma_start3A_43 : memref<1x1x10176xi32, #tpu.memory_space<hbm>> -> memref<10176xi32, #tpu.memory_space<hbm>>
      %dma_start3A_45 = arith.constant 0 : i32
      %dma_start3A_46 = tpu.memref_slice %arg2[%add3A, %run_scoped3A, %dma_start3A_45] : memref<32x1x10176xi32, #tpu.memory_space<hbm>> -> memref<1x1x10176xi32, #tpu.memory_space<hbm>>
      %dma_start3A_47 = tpu.memref_squeeze %dma_start3A_46 : memref<1x1x10176xi32, #tpu.memory_space<hbm>> -> memref<10176xi32, #tpu.memory_space<hbm>>
      tpu.enqueue_dma source(%dma_start3A_47 : memref<10176xi32, #tpu.memory_space<hbm>>) target(%arg7 : memref<10176xi32, #tpu.memory_space<vmem>>) target_semaphore(%run_scoped3A_41 : memref<!tpu.dma_semaphore, #tpu.memory_space<semaphore_mem>>)
      %dma_wait3A_48 = arith.constant 0 : i32
      %dma_wait3A_49 = tpu.memref_slice %arg2[%add3A, %run_scoped3A, %dma_wait3A_48] : memref<32x1x10176xi32, #tpu.memory_space<hbm>> -> memref<1x1x10176xi32, #tpu.memory_space<hbm>>
      %dma_wait3A_50 = tpu.memref_squeeze %dma_wait3A_49 : memref<1x1x10176xi32, #tpu.memory_space<hbm>> -> memref<10176xi32, #tpu.memory_space<hbm>>
      %dma_wait3A_51 = arith.constant 0 : i32
      %dma_wait3A_52 = tpu.memref_slice %arg2[%add3A, %run_scoped3A, %dma_wait3A_51] : memref<32x1x10176xi32, #tpu.memory_space<hbm>> -> memref<1x1x10176xi32, #tpu.memory_space<hbm>>
      %dma_wait3A_53 = tpu.memref_squeeze %dma_wait3A_52 : memref<1x1x10176xi32, #tpu.memory_space<hbm>> -> memref<10176xi32, #tpu.memory_space<hbm>>
      tpu.wait_dma2 semaphore(%run_scoped3A_41 : memref<!tpu.dma_semaphore, #tpu.memory_space<semaphore_mem>>) src(%dma_wait3A_53 : memref<10176xi32, #tpu.memory_space<hbm>>) dst(%arg7 : memref<10176xi32, #tpu.memory_space<vmem>>)
      tpu.yield
    }) : () -> ()
    "tpu.region"() ({
      %run_scoped3A_41 = tpu.sem_alloc : memref<!tpu.dma_semaphore, #tpu.memory_space<semaphore_mem>>
      %dma_start3A_42 = arith.constant 0 : i32
      %dma_start3A_43 = arith.constant 0 : i32
      %dma_start3A_44 = tpu.memref_slice %arg3[%add3A, %dma_start3A_42, %dma_start3A_43] : memref<32x106x96xi32, #tpu.memory_space<hbm>> -> memref<1x106x96xi32, #tpu.memory_space<hbm>>
      %dma_start3A_45 = tpu.memref_squeeze %dma_start3A_44 : memref<1x106x96xi32, #tpu.memory_space<hbm>> -> memref<106x96xi32, #tpu.memory_space<hbm>>
      %dma_start3A_46 = arith.constant 0 : i32
      %dma_start3A_47 = arith.constant 0 : i32
      %dma_start3A_48 = tpu.memref_slice %arg3[%add3A, %dma_start3A_46, %dma_start3A_47] : memref<32x106x96xi32, #tpu.memory_space<hbm>> -> memref<1x106x96xi32, #tpu.memory_space<hbm>>
      %dma_start3A_49 = tpu.memref_squeeze %dma_start3A_48 : memref<1x106x96xi32, #tpu.memory_space<hbm>> -> memref<106x96xi32, #tpu.memory_space<hbm>>
      tpu.enqueue_dma source(%dma_start3A_49 : memref<106x96xi32, #tpu.memory_space<hbm>>) target(%arg8 : memref<106x96xi32, #tpu.memory_space<vmem>>) target_semaphore(%run_scoped3A_41 : memref<!tpu.dma_semaphore, #tpu.memory_space<semaphore_mem>>)
      %dma_wait3A_50 = arith.constant 0 : i32
      %dma_wait3A_51 = arith.constant 0 : i32
      %dma_wait3A_52 = tpu.memref_slice %arg3[%add3A, %dma_wait3A_50, %dma_wait3A_51] : memref<32x106x96xi32, #tpu.memory_space<hbm>> -> memref<1x106x96xi32, #tpu.memory_space<hbm>>
      %dma_wait3A_53 = tpu.memref_squeeze %dma_wait3A_52 : memref<1x106x96xi32, #tpu.memory_space<hbm>> -> memref<106x96xi32, #tpu.memory_space<hbm>>
      %dma_wait3A_54 = arith.constant 0 : i32
      %dma_wait3A_55 = arith.constant 0 : i32
      %dma_wait3A_56 = tpu.memref_slice %arg3[%add3A, %dma_wait3A_54, %dma_wait3A_55] : memref<32x106x96xi32, #tpu.memory_space<hbm>> -> memref<1x106x96xi32, #tpu.memory_space<hbm>>
      %dma_wait3A_57 = tpu.memref_squeeze %dma_wait3A_56 : memref<1x106x96xi32, #tpu.memory_space<hbm>> -> memref<106x96xi32, #tpu.memory_space<hbm>>
      tpu.wait_dma2 semaphore(%run_scoped3A_41 : memref<!tpu.dma_semaphore, #tpu.memory_space<semaphore_mem>>) src(%dma_wait3A_57 : memref<106x96xi32, #tpu.memory_space<hbm>>) dst(%arg8 : memref<106x96xi32, #tpu.memory_space<vmem>>)
      tpu.yield
    }) : () -> ()
    %barrier3A = arith.constant 0 : index
    tpu.barrier barrier_id(%barrier3A)
    "tpu.region"() ({
      %run_scoped3A_41 = tpu.sem_alloc : memref<!tpu.dma_semaphore, #tpu.memory_space<semaphore_mem>>
      %dma_start3A_42 = arith.constant 0 : i32
      %dma_start3A_43 = tpu.memref_slice %arg7[%dma_start3A_42] : memref<10176xi32, #tpu.memory_space<vmem>> -> memref<96xi32, #tpu.memory_space<vmem>>
      %dma_start3A_44 = arith.constant 0 : i32
      %dma_start3A_45 = arith.constant 0 : i32
      %dma_start3A_46 = tpu.memref_slice %arg4[%dma_start3A_44, %dma_start3A_45] : memref<10000x128xf32, #tpu.memory_space<hbm>> -> memref<10000x128xf32, #tpu.memory_space<hbm>>
      tpu.enqueue_indirect_dma source(%dma_start3A_46 : memref<10000x128xf32, #tpu.memory_space<hbm>>) target(%arg9 : memref<96x128xf32, #tpu.memory_space<vmem>>) offsets(%dma_start3A_43 : memref<96xi32, #tpu.memory_space<vmem>>) semaphore(%run_scoped3A_41 : memref<!tpu.dma_semaphore, #tpu.memory_space<semaphore_mem>>)
      %dma_wait3A_47 = arith.constant 0 : i32
      %dma_wait3A_48 = tpu.memref_slice %arg7[%dma_wait3A_47] : memref<10176xi32, #tpu.memory_space<vmem>> -> memref<96xi32, #tpu.memory_space<vmem>>
      %dma_wait3A_49 = arith.constant 0 : i32
      %dma_wait3A_50 = arith.constant 0 : i32
      %dma_wait3A_51 = tpu.memref_slice %arg4[%dma_wait3A_49, %dma_wait3A_50] : memref<10000x128xf32, #tpu.memory_space<hbm>> -> memref<10000x128xf32, #tpu.memory_space<hbm>>
      tpu.wait_indirect_dma semaphore(%run_scoped3A_41 : memref<!tpu.dma_semaphore, #tpu.memory_space<semaphore_mem>>) src(%dma_wait3A_51 : memref<10000x128xf32, #tpu.memory_space<hbm>>) dst(%arg9 : memref<96x128xf32, #tpu.memory_space<vmem>>)
      tpu.yield
    }) : () -> ()
    %scan3A = arith.constant 0 : i32
    %scan3A_5 = arith.constant 0 : i32
    %scan3A_6 = arith.constant 52 : i32
    %scan3A_7 = arith.addi %scan3A_5, %scan3A_6 : i32
    %scan3A_8 = arith.constant 1 : i32
    scf.for %scan3A_41 = %scan3A_5 to %scan3A_7 step %scan3A_8  : i32 {
      %mul3A_42 = arith.constant 2 : i32
      %mul3A_43 = arith.muli %mul3A_42, %scan3A_41 : i32
      %dma_start3A_44 = arith.constant 0 : i32
      %dma_start3A_45 = tpu.memref_slice %arg8[%mul3A_43, %dma_start3A_44] : memref<106x96xi32, #tpu.memory_space<vmem>> -> memref<1x96xi32, #tpu.memory_space<vmem>>
      %dma_start3A_46 = tpu.memref_squeeze %dma_start3A_45 : memref<1x96xi32, #tpu.memory_space<vmem>> -> memref<96xi32, #tpu.memory_space<vmem>>
      %dma_start3A_47 = arith.constant 0 : i32
      %dma_start3A_48 = arith.constant 0 : i32
      %dma_start3A_49 = tpu.memref_slice %arg11[%dma_start3A_47, %dma_start3A_48] : memref<10240x128xf32, #tpu.memory_space<vmem_shared>> -> memref<10240x128xf32, #tpu.memory_space<vmem_shared>>
      tpu.enqueue_indirect_dma source(%arg9 : memref<96x128xf32, #tpu.memory_space<vmem>>) target(%dma_start3A_49 : memref<10240x128xf32, #tpu.memory_space<vmem_shared>>) offsets(%dma_start3A_46 : memref<96xi32, #tpu.memory_space<vmem>>) semaphore(%arg12 : memref<!tpu.dma_semaphore, #tpu.memory_space<semaphore_mem>>) {add = true}
      %add3A_50 = arith.constant 1 : i32
      %add3A_51 = arith.addi %mul3A_43, %add3A_50 : i32
      %mul3A_52 = arith.constant 96 : i32
      %mul3A_53 = arith.muli %add3A_51, %mul3A_52 : i32
      "tpu.region"() ({
        %run_scoped3A_80 = tpu.sem_alloc : memref<!tpu.dma_semaphore, #tpu.memory_space<semaphore_mem>>
        %dma_start3A_81 = tpu.memref_slice %arg7[%mul3A_53] : memref<10176xi32, #tpu.memory_space<vmem>> -> memref<96xi32, #tpu.memory_space<vmem>>
        %dma_start3A_82 = arith.constant 0 : i32
        %dma_start3A_83 = arith.constant 0 : i32
        %dma_start3A_84 = tpu.memref_slice %arg4[%dma_start3A_82, %dma_start3A_83] : memref<10000x128xf32, #tpu.memory_space<hbm>> -> memref<10000x128xf32, #tpu.memory_space<hbm>>
        tpu.enqueue_indirect_dma source(%dma_start3A_84 : memref<10000x128xf32, #tpu.memory_space<hbm>>) target(%arg10 : memref<96x128xf32, #tpu.memory_space<vmem>>) offsets(%dma_start3A_81 : memref<96xi32, #tpu.memory_space<vmem>>) semaphore(%run_scoped3A_80 : memref<!tpu.dma_semaphore, #tpu.memory_space<semaphore_mem>>)
        %dma_wait3A_85 = tpu.memref_slice %arg7[%mul3A_53] : memref<10176xi32, #tpu.memory_space<vmem>> -> memref<96xi32, #tpu.memory_space<vmem>>
        %dma_wait3A_86 = arith.constant 0 : i32
        %dma_wait3A_87 = arith.constant 0 : i32
        %dma_wait3A_88 = tpu.memref_slice %arg4[%dma_wait3A_86, %dma_wait3A_87] : memref<10000x128xf32, #tpu.memory_space<hbm>> -> memref<10000x128xf32, #tpu.memory_space<hbm>>
        tpu.wait_indirect_dma semaphore(%run_scoped3A_80 : memref<!tpu.dma_semaphore, #tpu.memory_space<semaphore_mem>>) src(%dma_wait3A_88 : memref<10000x128xf32, #tpu.memory_space<hbm>>) dst(%arg10 : memref<96x128xf32, #tpu.memory_space<vmem>>)
        tpu.yield
      }) : () -> ()
      %dma_wait3A_54 = arith.constant 0 : i32
      %dma_wait3A_55 = tpu.memref_slice %arg8[%mul3A_43, %dma_wait3A_54] : memref<106x96xi32, #tpu.memory_space<vmem>> -> memref<1x96xi32, #tpu.memory_space<vmem>>
      %dma_wait3A_56 = tpu.memref_squeeze %dma_wait3A_55 : memref<1x96xi32, #tpu.memory_space<vmem>> -> memref<96xi32, #tpu.memory_space<vmem>>
      %dma_wait3A_57 = arith.constant 0 : i32
      %dma_wait3A_58 = arith.constant 0 : i32
      %dma_wait3A_59 = tpu.memref_slice %arg11[%dma_wait3A_57, %dma_wait3A_58] : memref<10240x128xf32, #tpu.memory_space<vmem_shared>> -> memref<10240x128xf32, #tpu.memory_space<vmem_shared>>
      tpu.wait_indirect_dma semaphore(%arg12 : memref<!tpu.dma_semaphore, #tpu.memory_space<semaphore_mem>>) src(%arg9 : memref<96x128xf32, #tpu.memory_space<vmem>>) dst(%dma_wait3A_59 : memref<10240x128xf32, #tpu.memory_space<vmem_shared>>)
      %add3A_60 = arith.constant 1 : i32
      %add3A_61 = arith.addi %mul3A_43, %add3A_60 : i32
      %dma_start3A_62 = arith.constant 0 : i32
      %dma_start3A_63 = tpu.memref_slice %arg8[%add3A_61, %dma_start3A_62] : memref<106x96xi32, #tpu.memory_space<vmem>> -> memref<1x96xi32, #tpu.memory_space<vmem>>
      %dma_start3A_64 = tpu.memref_squeeze %dma_start3A_63 : memref<1x96xi32, #tpu.memory_space<vmem>> -> memref<96xi32, #tpu.memory_space<vmem>>
      %dma_start3A_65 = arith.constant 0 : i32
      %dma_start3A_66 = arith.constant 0 : i32
      %dma_start3A_67 = tpu.memref_slice %arg11[%dma_start3A_65, %dma_start3A_66] : memref<10240x128xf32, #tpu.memory_space<vmem_shared>> -> memref<10240x128xf32, #tpu.memory_space<vmem_shared>>
      tpu.enqueue_indirect_dma source(%arg10 : memref<96x128xf32, #tpu.memory_space<vmem>>) target(%dma_start3A_67 : memref<10240x128xf32, #tpu.memory_space<vmem_shared>>) offsets(%dma_start3A_64 : memref<96xi32, #tpu.memory_space<vmem>>) semaphore(%arg12 : memref<!tpu.dma_semaphore, #tpu.memory_space<semaphore_mem>>) {add = true}
      %add3A_68 = arith.constant 2 : i32
      %add3A_69 = arith.addi %mul3A_43, %add3A_68 : i32
      %mul3A_70 = arith.constant 96 : i32
      %mul3A_71 = arith.muli %add3A_69, %mul3A_70 : i32
      "tpu.region"() ({
        %run_scoped3A_80 = tpu.sem_alloc : memref<!tpu.dma_semaphore, #tpu.memory_space<semaphore_mem>>
        %dma_start3A_81 = tpu.memref_slice %arg7[%mul3A_71] : memref<10176xi32, #tpu.memory_space<vmem>> -> memref<96xi32, #tpu.memory_space<vmem>>
        %dma_start3A_82 = arith.constant 0 : i32
        %dma_start3A_83 = arith.constant 0 : i32
        %dma_start3A_84 = tpu.memref_slice %arg4[%dma_start3A_82, %dma_start3A_83] : memref<10000x128xf32, #tpu.memory_space<hbm>> -> memref<10000x128xf32, #tpu.memory_space<hbm>>
        tpu.enqueue_indirect_dma source(%dma_start3A_84 : memref<10000x128xf32, #tpu.memory_space<hbm>>) target(%arg9 : memref<96x128xf32, #tpu.memory_space<vmem>>) offsets(%dma_start3A_81 : memref<96xi32, #tpu.memory_space<vmem>>) semaphore(%run_scoped3A_80 : memref<!tpu.dma_semaphore, #tpu.memory_space<semaphore_mem>>)
        %dma_wait3A_85 = tpu.memref_slice %arg7[%mul3A_71] : memref<10176xi32, #tpu.memory_space<vmem>> -> memref<96xi32, #tpu.memory_space<vmem>>
        %dma_wait3A_86 = arith.constant 0 : i32
        %dma_wait3A_87 = arith.constant 0 : i32
        %dma_wait3A_88 = tpu.memref_slice %arg4[%dma_wait3A_86, %dma_wait3A_87] : memref<10000x128xf32, #tpu.memory_space<hbm>> -> memref<10000x128xf32, #tpu.memory_space<hbm>>
        tpu.wait_indirect_dma semaphore(%run_scoped3A_80 : memref<!tpu.dma_semaphore, #tpu.memory_space<semaphore_mem>>) src(%dma_wait3A_88 : memref<10000x128xf32, #tpu.memory_space<hbm>>) dst(%arg9 : memref<96x128xf32, #tpu.memory_space<vmem>>)
        tpu.yield
      }) : () -> ()
      %add3A_72 = arith.constant 1 : i32
      %add3A_73 = arith.addi %mul3A_43, %add3A_72 : i32
      %dma_wait3A_74 = arith.constant 0 : i32
      %dma_wait3A_75 = tpu.memref_slice %arg8[%add3A_73, %dma_wait3A_74] : memref<106x96xi32, #tpu.memory_space<vmem>> -> memref<1x96xi32, #tpu.memory_space<vmem>>
      %dma_wait3A_76 = tpu.memref_squeeze %dma_wait3A_75 : memref<1x96xi32, #tpu.memory_space<vmem>> -> memref<96xi32, #tpu.memory_space<vmem>>
      %dma_wait3A_77 = arith.constant 0 : i32
      %dma_wait3A_78 = arith.constant 0 : i32
      %dma_wait3A_79 = tpu.memref_slice %arg11[%dma_wait3A_77, %dma_wait3A_78] : memref<10240x128xf32, #tpu.memory_space<vmem_shared>> -> memref<10240x128xf32, #tpu.memory_space<vmem_shared>>
      tpu.wait_indirect_dma semaphore(%arg12 : memref<!tpu.dma_semaphore, #tpu.memory_space<semaphore_mem>>) src(%arg10 : memref<96x128xf32, #tpu.memory_space<vmem>>) dst(%dma_wait3A_79 : memref<10240x128xf32, #tpu.memory_space<vmem_shared>>)
    }
    %scan3A_9 = arith.constant 52 : i32
    %dma_start3A = arith.constant 104 : i32
    %dma_start3A_10 = arith.constant 0 : i32
    %dma_start3A_11 = tpu.memref_slice %arg8[%dma_start3A, %dma_start3A_10] : memref<106x96xi32, #tpu.memory_space<vmem>> -> memref<1x96xi32, #tpu.memory_space<vmem>>
    %dma_start3A_12 = tpu.memref_squeeze %dma_start3A_11 : memref<1x96xi32, #tpu.memory_space<vmem>> -> memref<96xi32, #tpu.memory_space<vmem>>
    %dma_start3A_13 = arith.constant 0 : i32
    %dma_start3A_14 = arith.constant 0 : i32
    %dma_start3A_15 = tpu.memref_slice %arg11[%dma_start3A_13, %dma_start3A_14] : memref<10240x128xf32, #tpu.memory_space<vmem_shared>> -> memref<10240x128xf32, #tpu.memory_space<vmem_shared>>
    tpu.enqueue_indirect_dma source(%arg9 : memref<96x128xf32, #tpu.memory_space<vmem>>) target(%dma_start3A_15 : memref<10240x128xf32, #tpu.memory_space<vmem_shared>>) offsets(%dma_start3A_12 : memref<96xi32, #tpu.memory_space<vmem>>) semaphore(%arg12 : memref<!tpu.dma_semaphore, #tpu.memory_space<semaphore_mem>>) {add = true}
    "tpu.region"() ({
      %run_scoped3A_41 = tpu.sem_alloc : memref<!tpu.dma_semaphore, #tpu.memory_space<semaphore_mem>>
      %dma_start3A_42 = arith.constant 10080 : i32
      %dma_start3A_43 = tpu.memref_slice %arg7[%dma_start3A_42] : memref<10176xi32, #tpu.memory_space<vmem>> -> memref<96xi32, #tpu.memory_space<vmem>>
      %dma_start3A_44 = arith.constant 0 : i32
      %dma_start3A_45 = arith.constant 0 : i32
      %dma_start3A_46 = tpu.memref_slice %arg4[%dma_start3A_44, %dma_start3A_45] : memref<10000x128xf32, #tpu.memory_space<hbm>> -> memref<10000x128xf32, #tpu.memory_space<hbm>>
      tpu.enqueue_indirect_dma source(%dma_start3A_46 : memref<10000x128xf32, #tpu.memory_space<hbm>>) target(%arg10 : memref<96x128xf32, #tpu.memory_space<vmem>>) offsets(%dma_start3A_43 : memref<96xi32, #tpu.memory_space<vmem>>) semaphore(%run_scoped3A_41 : memref<!tpu.dma_semaphore, #tpu.memory_space<semaphore_mem>>)
      %dma_wait3A_47 = arith.constant 10080 : i32
      %dma_wait3A_48 = tpu.memref_slice %arg7[%dma_wait3A_47] : memref<10176xi32, #tpu.memory_space<vmem>> -> memref<96xi32, #tpu.memory_space<vmem>>
      %dma_wait3A_49 = arith.constant 0 : i32
      %dma_wait3A_50 = arith.constant 0 : i32
      %dma_wait3A_51 = tpu.memref_slice %arg4[%dma_wait3A_49, %dma_wait3A_50] : memref<10000x128xf32, #tpu.memory_space<hbm>> -> memref<10000x128xf32, #tpu.memory_space<hbm>>
      tpu.wait_indirect_dma semaphore(%run_scoped3A_41 : memref<!tpu.dma_semaphore, #tpu.memory_space<semaphore_mem>>) src(%dma_wait3A_51 : memref<10000x128xf32, #tpu.memory_space<hbm>>) dst(%arg10 : memref<96x128xf32, #tpu.memory_space<vmem>>)
      tpu.yield
    }) : () -> ()
    %dma_wait3A = arith.constant 104 : i32
    %dma_wait3A_16 = arith.constant 0 : i32
    %dma_wait3A_17 = tpu.memref_slice %arg8[%dma_wait3A, %dma_wait3A_16] : memref<106x96xi32, #tpu.memory_space<vmem>> -> memref<1x96xi32, #tpu.memory_space<vmem>>
    %dma_wait3A_18 = tpu.memref_squeeze %dma_wait3A_17 : memref<1x96xi32, #tpu.memory_space<vmem>> -> memref<96xi32, #tpu.memory_space<vmem>>
    %dma_wait3A_19 = arith.constant 0 : i32
    %dma_wait3A_20 = arith.constant 0 : i32
    %dma_wait3A_21 = tpu.memref_slice %arg11[%dma_wait3A_19, %dma_wait3A_20] : memref<10240x128xf32, #tpu.memory_space<vmem_shared>> -> memref<10240x128xf32, #tpu.memory_space<vmem_shared>>
    tpu.wait_indirect_dma semaphore(%arg12 : memref<!tpu.dma_semaphore, #tpu.memory_space<semaphore_mem>>) src(%arg9 : memref<96x128xf32, #tpu.memory_space<vmem>>) dst(%dma_wait3A_21 : memref<10240x128xf32, #tpu.memory_space<vmem_shared>>)
    %dma_start3A_22 = arith.constant 105 : i32
    %dma_start3A_23 = arith.constant 0 : i32
    %dma_start3A_24 = tpu.memref_slice %arg8[%dma_start3A_22, %dma_start3A_23] : memref<106x96xi32, #tpu.memory_space<vmem>> -> memref<1x96xi32, #tpu.memory_space<vmem>>
    %dma_start3A_25 = tpu.memref_squeeze %dma_start3A_24 : memref<1x96xi32, #tpu.memory_space<vmem>> -> memref<96xi32, #tpu.memory_space<vmem>>
    %dma_start3A_26 = arith.constant 0 : i32
    %dma_start3A_27 = arith.constant 0 : i32
    %dma_start3A_28 = tpu.memref_slice %arg11[%dma_start3A_26, %dma_start3A_27] : memref<10240x128xf32, #tpu.memory_space<vmem_shared>> -> memref<10240x128xf32, #tpu.memory_space<vmem_shared>>
    tpu.enqueue_indirect_dma source(%arg10 : memref<96x128xf32, #tpu.memory_space<vmem>>) target(%dma_start3A_28 : memref<10240x128xf32, #tpu.memory_space<vmem_shared>>) offsets(%dma_start3A_25 : memref<96xi32, #tpu.memory_space<vmem>>) semaphore(%arg12 : memref<!tpu.dma_semaphore, #tpu.memory_space<semaphore_mem>>) {add = true}
    %dma_wait3A_29 = arith.constant 105 : i32
    %dma_wait3A_30 = arith.constant 0 : i32
    %dma_wait3A_31 = tpu.memref_slice %arg8[%dma_wait3A_29, %dma_wait3A_30] : memref<106x96xi32, #tpu.memory_space<vmem>> -> memref<1x96xi32, #tpu.memory_space<vmem>>
    %dma_wait3A_32 = tpu.memref_squeeze %dma_wait3A_31 : memref<1x96xi32, #tpu.memory_space<vmem>> -> memref<96xi32, #tpu.memory_space<vmem>>
    %dma_wait3A_33 = arith.constant 0 : i32
    %dma_wait3A_34 = arith.constant 0 : i32
    %dma_wait3A_35 = tpu.memref_slice %arg11[%dma_wait3A_33, %dma_wait3A_34] : memref<10240x128xf32, #tpu.memory_space<vmem_shared>> -> memref<10240x128xf32, #tpu.memory_space<vmem_shared>>
    tpu.wait_indirect_dma semaphore(%arg12 : memref<!tpu.dma_semaphore, #tpu.memory_space<semaphore_mem>>) src(%arg10 : memref<96x128xf32, #tpu.memory_space<vmem>>) dst(%dma_wait3A_35 : memref<10240x128xf32, #tpu.memory_space<vmem_shared>>)
    %barrier3A_36 = arith.constant 0 : index
    tpu.barrier barrier_id(%barrier3A_36)
    %mul3A_37 = arith.constant 640 : i32
    %mul3A_38 = arith.muli %arg1, %mul3A_37 : i32
    %mul3A_39 = arith.constant 640 : i32
    %mul3A_40 = arith.muli %arg1, %mul3A_39 : i32
    "tpu.region"() ({
      %run_scoped3A_41 = tpu.sem_alloc : memref<!tpu.dma_semaphore, #tpu.memory_space<semaphore_mem>>
      %dma_start3A_42 = arith.constant 0 : i32
      %dma_start3A_43 = tpu.memref_slice %arg6[%arg0, %mul3A_40, %dma_start3A_42] : memref<2x10240x128xf32, #tpu.memory_space<hbm>> -> memref<1x640x128xf32, #tpu.memory_space<hbm>>
      %dma_start3A_44 = tpu.memref_squeeze %dma_start3A_43 : memref<1x640x128xf32, #tpu.memory_space<hbm>> -> memref<640x128xf32, #tpu.memory_space<hbm>>
      %dma_start3A_45 = arith.constant 0 : i32
      %dma_start3A_46 = tpu.memref_slice %arg11[%mul3A_38, %dma_start3A_45] : memref<10240x128xf32, #tpu.memory_space<vmem_shared>> -> memref<640x128xf32, #tpu.memory_space<vmem_shared>>
      tpu.enqueue_dma source(%dma_start3A_46 : memref<640x128xf32, #tpu.memory_space<vmem_shared>>) target(%dma_start3A_44 : memref<640x128xf32, #tpu.memory_space<hbm>>) target_semaphore(%run_scoped3A_41 : memref<!tpu.dma_semaphore, #tpu.memory_space<semaphore_mem>>)
      %dma_wait3A_47 = arith.constant 0 : i32
      %dma_wait3A_48 = tpu.memref_slice %arg6[%arg0, %mul3A_40, %dma_wait3A_47] : memref<2x10240x128xf32, #tpu.memory_space<hbm>> -> memref<1x640x128xf32, #tpu.memory_space<hbm>>
      %dma_wait3A_49 = tpu.memref_squeeze %dma_wait3A_48 : memref<1x640x128xf32, #tpu.memory_space<hbm>> -> memref<640x128xf32, #tpu.memory_space<hbm>>
      %dma_wait3A_50 = arith.constant 0 : i32
      %dma_wait3A_51 = tpu.memref_slice %arg11[%mul3A_38, %dma_wait3A_50] : memref<10240x128xf32, #tpu.memory_space<vmem_shared>> -> memref<640x128xf32, #tpu.memory_space<vmem_shared>>
      tpu.wait_dma2 semaphore(%run_scoped3A_41 : memref<!tpu.dma_semaphore, #tpu.memory_space<semaphore_mem>>) src(%dma_wait3A_51 : memref<640x128xf32, #tpu.memory_space<vmem_shared>>) dst(%dma_wait3A_49 : memref<640x128xf32, #tpu.memory_space<hbm>>)
      tpu.yield
    }) : () -> ()
    return
  }
}

#map = affine_map<(d0, d1) -> (0, 0, 0)>
#map1 = affine_map<(d0, d1) -> (0, 0)>
module attributes {stable_mosaic.version = 14 : i64} {
  func.func @_sc_agg_body(%arg0: i32, %arg1: i32, %arg2: memref<32x1x10176xi32, #tpu.memory_space<hbm>>, %arg3: memref<32x106x96xi32, #tpu.memory_space<hbm>>, %arg4: memref<10000x64xf32, #tpu.memory_space<hbm>>, %arg5: memref<10240x64xf32, #tpu.memory_space<hbm>>, %arg6: memref<2x10240x64xf32, #tpu.memory_space<hbm>>, %arg7: memref<10176xi32, #tpu.memory_space<vmem>>, %arg8: memref<106x96xi32, #tpu.memory_space<vmem>>, %arg9: memref<96x64xf32, #tpu.memory_space<vmem>>, %arg10: memref<96x64xf32, #tpu.memory_space<vmem>>, %arg11: memref<10240x64xf32, #tpu.memory_space<vmem_shared>>, %arg12: memref<!tpu.dma_semaphore, #tpu.memory_space<semaphore_mem>>) attributes {dimension_semantics = [#tpu.dimension_semantics<core_parallel>, #tpu.dimension_semantics<subcore_parallel>], iteration_bounds = array<i64: 2, 16>, scalar_prefetch = 0 : i64, scratch_operands = 6 : i64, tpu.core_type = #tpu.core_type<sc_vector_subcore>, window_params = [{transform_indices = #map}, {transform_indices = #map}, {transform_indices = #map1}, {transform_indices = #map1}, {transform_indices = #map}]} {
    %mul3A = arith.constant 2 : i32
    %mul3A_0 = arith.muli %arg1, %mul3A : i32
    %add3A = arith.addi %mul3A_0, %arg0 : i32
    %mul3A_1 = arith.constant 640 : i32
    %mul3A_2 = arith.muli %arg1, %mul3A_1 : i32
    %mul3A_3 = arith.constant 640 : i32
    %mul3A_4 = arith.muli %arg1, %mul3A_3 : i32
    "tpu.region"() ({
      %run_scoped3A_41 = tpu.sem_alloc : memref<!tpu.dma_semaphore, #tpu.memory_space<semaphore_mem>>
      %dma_start3A_42 = arith.constant 0 : i32
      %dma_start3A_43 = tpu.memref_slice %arg11[%mul3A_4, %dma_start3A_42] : memref<10240x64xf32, #tpu.memory_space<vmem_shared>> -> memref<640x64xf32, #tpu.memory_space<vmem_shared>>
      %dma_start3A_44 = arith.constant 0 : i32
      %dma_start3A_45 = tpu.memref_slice %arg5[%mul3A_2, %dma_start3A_44] : memref<10240x64xf32, #tpu.memory_space<hbm>> -> memref<640x64xf32, #tpu.memory_space<hbm>>
      tpu.enqueue_dma source(%dma_start3A_45 : memref<640x64xf32, #tpu.memory_space<hbm>>) target(%dma_start3A_43 : memref<640x64xf32, #tpu.memory_space<vmem_shared>>) target_semaphore(%run_scoped3A_41 : memref<!tpu.dma_semaphore, #tpu.memory_space<semaphore_mem>>)
      %dma_wait3A_46 = arith.constant 0 : i32
      %dma_wait3A_47 = tpu.memref_slice %arg11[%mul3A_4, %dma_wait3A_46] : memref<10240x64xf32, #tpu.memory_space<vmem_shared>> -> memref<640x64xf32, #tpu.memory_space<vmem_shared>>
      %dma_wait3A_48 = arith.constant 0 : i32
      %dma_wait3A_49 = tpu.memref_slice %arg5[%mul3A_2, %dma_wait3A_48] : memref<10240x64xf32, #tpu.memory_space<hbm>> -> memref<640x64xf32, #tpu.memory_space<hbm>>
      tpu.wait_dma2 semaphore(%run_scoped3A_41 : memref<!tpu.dma_semaphore, #tpu.memory_space<semaphore_mem>>) src(%dma_wait3A_49 : memref<640x64xf32, #tpu.memory_space<hbm>>) dst(%dma_wait3A_47 : memref<640x64xf32, #tpu.memory_space<vmem_shared>>)
      tpu.yield
    }) : () -> ()
    %run_scoped3A = arith.constant 0 : i32
    "tpu.region"() ({
      %run_scoped3A_41 = tpu.sem_alloc : memref<!tpu.dma_semaphore, #tpu.memory_space<semaphore_mem>>
      %dma_start3A_42 = arith.constant 0 : i32
      %dma_start3A_43 = tpu.memref_slice %arg2[%add3A, %run_scoped3A, %dma_start3A_42] : memref<32x1x10176xi32, #tpu.memory_space<hbm>> -> memref<1x1x10176xi32, #tpu.memory_space<hbm>>
      %dma_start3A_44 = tpu.memref_squeeze %dma_start3A_43 : memref<1x1x10176xi32, #tpu.memory_space<hbm>> -> memref<10176xi32, #tpu.memory_space<hbm>>
      %dma_start3A_45 = arith.constant 0 : i32
      %dma_start3A_46 = tpu.memref_slice %arg2[%add3A, %run_scoped3A, %dma_start3A_45] : memref<32x1x10176xi32, #tpu.memory_space<hbm>> -> memref<1x1x10176xi32, #tpu.memory_space<hbm>>
      %dma_start3A_47 = tpu.memref_squeeze %dma_start3A_46 : memref<1x1x10176xi32, #tpu.memory_space<hbm>> -> memref<10176xi32, #tpu.memory_space<hbm>>
      tpu.enqueue_dma source(%dma_start3A_47 : memref<10176xi32, #tpu.memory_space<hbm>>) target(%arg7 : memref<10176xi32, #tpu.memory_space<vmem>>) target_semaphore(%run_scoped3A_41 : memref<!tpu.dma_semaphore, #tpu.memory_space<semaphore_mem>>)
      %dma_wait3A_48 = arith.constant 0 : i32
      %dma_wait3A_49 = tpu.memref_slice %arg2[%add3A, %run_scoped3A, %dma_wait3A_48] : memref<32x1x10176xi32, #tpu.memory_space<hbm>> -> memref<1x1x10176xi32, #tpu.memory_space<hbm>>
      %dma_wait3A_50 = tpu.memref_squeeze %dma_wait3A_49 : memref<1x1x10176xi32, #tpu.memory_space<hbm>> -> memref<10176xi32, #tpu.memory_space<hbm>>
      %dma_wait3A_51 = arith.constant 0 : i32
      %dma_wait3A_52 = tpu.memref_slice %arg2[%add3A, %run_scoped3A, %dma_wait3A_51] : memref<32x1x10176xi32, #tpu.memory_space<hbm>> -> memref<1x1x10176xi32, #tpu.memory_space<hbm>>
      %dma_wait3A_53 = tpu.memref_squeeze %dma_wait3A_52 : memref<1x1x10176xi32, #tpu.memory_space<hbm>> -> memref<10176xi32, #tpu.memory_space<hbm>>
      tpu.wait_dma2 semaphore(%run_scoped3A_41 : memref<!tpu.dma_semaphore, #tpu.memory_space<semaphore_mem>>) src(%dma_wait3A_53 : memref<10176xi32, #tpu.memory_space<hbm>>) dst(%arg7 : memref<10176xi32, #tpu.memory_space<vmem>>)
      tpu.yield
    }) : () -> ()
    "tpu.region"() ({
      %run_scoped3A_41 = tpu.sem_alloc : memref<!tpu.dma_semaphore, #tpu.memory_space<semaphore_mem>>
      %dma_start3A_42 = arith.constant 0 : i32
      %dma_start3A_43 = arith.constant 0 : i32
      %dma_start3A_44 = tpu.memref_slice %arg3[%add3A, %dma_start3A_42, %dma_start3A_43] : memref<32x106x96xi32, #tpu.memory_space<hbm>> -> memref<1x106x96xi32, #tpu.memory_space<hbm>>
      %dma_start3A_45 = tpu.memref_squeeze %dma_start3A_44 : memref<1x106x96xi32, #tpu.memory_space<hbm>> -> memref<106x96xi32, #tpu.memory_space<hbm>>
      %dma_start3A_46 = arith.constant 0 : i32
      %dma_start3A_47 = arith.constant 0 : i32
      %dma_start3A_48 = tpu.memref_slice %arg3[%add3A, %dma_start3A_46, %dma_start3A_47] : memref<32x106x96xi32, #tpu.memory_space<hbm>> -> memref<1x106x96xi32, #tpu.memory_space<hbm>>
      %dma_start3A_49 = tpu.memref_squeeze %dma_start3A_48 : memref<1x106x96xi32, #tpu.memory_space<hbm>> -> memref<106x96xi32, #tpu.memory_space<hbm>>
      tpu.enqueue_dma source(%dma_start3A_49 : memref<106x96xi32, #tpu.memory_space<hbm>>) target(%arg8 : memref<106x96xi32, #tpu.memory_space<vmem>>) target_semaphore(%run_scoped3A_41 : memref<!tpu.dma_semaphore, #tpu.memory_space<semaphore_mem>>)
      %dma_wait3A_50 = arith.constant 0 : i32
      %dma_wait3A_51 = arith.constant 0 : i32
      %dma_wait3A_52 = tpu.memref_slice %arg3[%add3A, %dma_wait3A_50, %dma_wait3A_51] : memref<32x106x96xi32, #tpu.memory_space<hbm>> -> memref<1x106x96xi32, #tpu.memory_space<hbm>>
      %dma_wait3A_53 = tpu.memref_squeeze %dma_wait3A_52 : memref<1x106x96xi32, #tpu.memory_space<hbm>> -> memref<106x96xi32, #tpu.memory_space<hbm>>
      %dma_wait3A_54 = arith.constant 0 : i32
      %dma_wait3A_55 = arith.constant 0 : i32
      %dma_wait3A_56 = tpu.memref_slice %arg3[%add3A, %dma_wait3A_54, %dma_wait3A_55] : memref<32x106x96xi32, #tpu.memory_space<hbm>> -> memref<1x106x96xi32, #tpu.memory_space<hbm>>
      %dma_wait3A_57 = tpu.memref_squeeze %dma_wait3A_56 : memref<1x106x96xi32, #tpu.memory_space<hbm>> -> memref<106x96xi32, #tpu.memory_space<hbm>>
      tpu.wait_dma2 semaphore(%run_scoped3A_41 : memref<!tpu.dma_semaphore, #tpu.memory_space<semaphore_mem>>) src(%dma_wait3A_57 : memref<106x96xi32, #tpu.memory_space<hbm>>) dst(%arg8 : memref<106x96xi32, #tpu.memory_space<vmem>>)
      tpu.yield
    }) : () -> ()
    %barrier3A = arith.constant 0 : index
    tpu.barrier barrier_id(%barrier3A)
    "tpu.region"() ({
      %run_scoped3A_41 = tpu.sem_alloc : memref<!tpu.dma_semaphore, #tpu.memory_space<semaphore_mem>>
      %dma_start3A_42 = arith.constant 0 : i32
      %dma_start3A_43 = tpu.memref_slice %arg7[%dma_start3A_42] : memref<10176xi32, #tpu.memory_space<vmem>> -> memref<96xi32, #tpu.memory_space<vmem>>
      %dma_start3A_44 = arith.constant 0 : i32
      %dma_start3A_45 = arith.constant 0 : i32
      %dma_start3A_46 = tpu.memref_slice %arg4[%dma_start3A_44, %dma_start3A_45] : memref<10000x64xf32, #tpu.memory_space<hbm>> -> memref<10000x64xf32, #tpu.memory_space<hbm>>
      tpu.enqueue_indirect_dma source(%dma_start3A_46 : memref<10000x64xf32, #tpu.memory_space<hbm>>) target(%arg9 : memref<96x64xf32, #tpu.memory_space<vmem>>) offsets(%dma_start3A_43 : memref<96xi32, #tpu.memory_space<vmem>>) semaphore(%run_scoped3A_41 : memref<!tpu.dma_semaphore, #tpu.memory_space<semaphore_mem>>)
      %dma_wait3A_47 = arith.constant 0 : i32
      %dma_wait3A_48 = tpu.memref_slice %arg7[%dma_wait3A_47] : memref<10176xi32, #tpu.memory_space<vmem>> -> memref<96xi32, #tpu.memory_space<vmem>>
      %dma_wait3A_49 = arith.constant 0 : i32
      %dma_wait3A_50 = arith.constant 0 : i32
      %dma_wait3A_51 = tpu.memref_slice %arg4[%dma_wait3A_49, %dma_wait3A_50] : memref<10000x64xf32, #tpu.memory_space<hbm>> -> memref<10000x64xf32, #tpu.memory_space<hbm>>
      tpu.wait_indirect_dma semaphore(%run_scoped3A_41 : memref<!tpu.dma_semaphore, #tpu.memory_space<semaphore_mem>>) src(%dma_wait3A_51 : memref<10000x64xf32, #tpu.memory_space<hbm>>) dst(%arg9 : memref<96x64xf32, #tpu.memory_space<vmem>>)
      tpu.yield
    }) : () -> ()
    %scan3A = arith.constant 0 : i32
    %scan3A_5 = arith.constant 0 : i32
    %scan3A_6 = arith.constant 52 : i32
    %scan3A_7 = arith.addi %scan3A_5, %scan3A_6 : i32
    %scan3A_8 = arith.constant 1 : i32
    scf.for %scan3A_41 = %scan3A_5 to %scan3A_7 step %scan3A_8  : i32 {
      %mul3A_42 = arith.constant 2 : i32
      %mul3A_43 = arith.muli %mul3A_42, %scan3A_41 : i32
      %dma_start3A_44 = arith.constant 0 : i32
      %dma_start3A_45 = tpu.memref_slice %arg8[%mul3A_43, %dma_start3A_44] : memref<106x96xi32, #tpu.memory_space<vmem>> -> memref<1x96xi32, #tpu.memory_space<vmem>>
      %dma_start3A_46 = tpu.memref_squeeze %dma_start3A_45 : memref<1x96xi32, #tpu.memory_space<vmem>> -> memref<96xi32, #tpu.memory_space<vmem>>
      %dma_start3A_47 = arith.constant 0 : i32
      %dma_start3A_48 = arith.constant 0 : i32
      %dma_start3A_49 = tpu.memref_slice %arg11[%dma_start3A_47, %dma_start3A_48] : memref<10240x64xf32, #tpu.memory_space<vmem_shared>> -> memref<10240x64xf32, #tpu.memory_space<vmem_shared>>
      tpu.enqueue_indirect_dma source(%arg9 : memref<96x64xf32, #tpu.memory_space<vmem>>) target(%dma_start3A_49 : memref<10240x64xf32, #tpu.memory_space<vmem_shared>>) offsets(%dma_start3A_46 : memref<96xi32, #tpu.memory_space<vmem>>) semaphore(%arg12 : memref<!tpu.dma_semaphore, #tpu.memory_space<semaphore_mem>>) {add = true}
      %add3A_50 = arith.constant 1 : i32
      %add3A_51 = arith.addi %mul3A_43, %add3A_50 : i32
      %mul3A_52 = arith.constant 96 : i32
      %mul3A_53 = arith.muli %add3A_51, %mul3A_52 : i32
      "tpu.region"() ({
        %run_scoped3A_80 = tpu.sem_alloc : memref<!tpu.dma_semaphore, #tpu.memory_space<semaphore_mem>>
        %dma_start3A_81 = tpu.memref_slice %arg7[%mul3A_53] : memref<10176xi32, #tpu.memory_space<vmem>> -> memref<96xi32, #tpu.memory_space<vmem>>
        %dma_start3A_82 = arith.constant 0 : i32
        %dma_start3A_83 = arith.constant 0 : i32
        %dma_start3A_84 = tpu.memref_slice %arg4[%dma_start3A_82, %dma_start3A_83] : memref<10000x64xf32, #tpu.memory_space<hbm>> -> memref<10000x64xf32, #tpu.memory_space<hbm>>
        tpu.enqueue_indirect_dma source(%dma_start3A_84 : memref<10000x64xf32, #tpu.memory_space<hbm>>) target(%arg10 : memref<96x64xf32, #tpu.memory_space<vmem>>) offsets(%dma_start3A_81 : memref<96xi32, #tpu.memory_space<vmem>>) semaphore(%run_scoped3A_80 : memref<!tpu.dma_semaphore, #tpu.memory_space<semaphore_mem>>)
        %dma_wait3A_85 = tpu.memref_slice %arg7[%mul3A_53] : memref<10176xi32, #tpu.memory_space<vmem>> -> memref<96xi32, #tpu.memory_space<vmem>>
        %dma_wait3A_86 = arith.constant 0 : i32
        %dma_wait3A_87 = arith.constant 0 : i32
        %dma_wait3A_88 = tpu.memref_slice %arg4[%dma_wait3A_86, %dma_wait3A_87] : memref<10000x64xf32, #tpu.memory_space<hbm>> -> memref<10000x64xf32, #tpu.memory_space<hbm>>
        tpu.wait_indirect_dma semaphore(%run_scoped3A_80 : memref<!tpu.dma_semaphore, #tpu.memory_space<semaphore_mem>>) src(%dma_wait3A_88 : memref<10000x64xf32, #tpu.memory_space<hbm>>) dst(%arg10 : memref<96x64xf32, #tpu.memory_space<vmem>>)
        tpu.yield
      }) : () -> ()
      %dma_wait3A_54 = arith.constant 0 : i32
      %dma_wait3A_55 = tpu.memref_slice %arg8[%mul3A_43, %dma_wait3A_54] : memref<106x96xi32, #tpu.memory_space<vmem>> -> memref<1x96xi32, #tpu.memory_space<vmem>>
      %dma_wait3A_56 = tpu.memref_squeeze %dma_wait3A_55 : memref<1x96xi32, #tpu.memory_space<vmem>> -> memref<96xi32, #tpu.memory_space<vmem>>
      %dma_wait3A_57 = arith.constant 0 : i32
      %dma_wait3A_58 = arith.constant 0 : i32
      %dma_wait3A_59 = tpu.memref_slice %arg11[%dma_wait3A_57, %dma_wait3A_58] : memref<10240x64xf32, #tpu.memory_space<vmem_shared>> -> memref<10240x64xf32, #tpu.memory_space<vmem_shared>>
      tpu.wait_indirect_dma semaphore(%arg12 : memref<!tpu.dma_semaphore, #tpu.memory_space<semaphore_mem>>) src(%arg9 : memref<96x64xf32, #tpu.memory_space<vmem>>) dst(%dma_wait3A_59 : memref<10240x64xf32, #tpu.memory_space<vmem_shared>>)
      %add3A_60 = arith.constant 1 : i32
      %add3A_61 = arith.addi %mul3A_43, %add3A_60 : i32
      %dma_start3A_62 = arith.constant 0 : i32
      %dma_start3A_63 = tpu.memref_slice %arg8[%add3A_61, %dma_start3A_62] : memref<106x96xi32, #tpu.memory_space<vmem>> -> memref<1x96xi32, #tpu.memory_space<vmem>>
      %dma_start3A_64 = tpu.memref_squeeze %dma_start3A_63 : memref<1x96xi32, #tpu.memory_space<vmem>> -> memref<96xi32, #tpu.memory_space<vmem>>
      %dma_start3A_65 = arith.constant 0 : i32
      %dma_start3A_66 = arith.constant 0 : i32
      %dma_start3A_67 = tpu.memref_slice %arg11[%dma_start3A_65, %dma_start3A_66] : memref<10240x64xf32, #tpu.memory_space<vmem_shared>> -> memref<10240x64xf32, #tpu.memory_space<vmem_shared>>
      tpu.enqueue_indirect_dma source(%arg10 : memref<96x64xf32, #tpu.memory_space<vmem>>) target(%dma_start3A_67 : memref<10240x64xf32, #tpu.memory_space<vmem_shared>>) offsets(%dma_start3A_64 : memref<96xi32, #tpu.memory_space<vmem>>) semaphore(%arg12 : memref<!tpu.dma_semaphore, #tpu.memory_space<semaphore_mem>>) {add = true}
      %add3A_68 = arith.constant 2 : i32
      %add3A_69 = arith.addi %mul3A_43, %add3A_68 : i32
      %mul3A_70 = arith.constant 96 : i32
      %mul3A_71 = arith.muli %add3A_69, %mul3A_70 : i32
      "tpu.region"() ({
        %run_scoped3A_80 = tpu.sem_alloc : memref<!tpu.dma_semaphore, #tpu.memory_space<semaphore_mem>>
        %dma_start3A_81 = tpu.memref_slice %arg7[%mul3A_71] : memref<10176xi32, #tpu.memory_space<vmem>> -> memref<96xi32, #tpu.memory_space<vmem>>
        %dma_start3A_82 = arith.constant 0 : i32
        %dma_start3A_83 = arith.constant 0 : i32
        %dma_start3A_84 = tpu.memref_slice %arg4[%dma_start3A_82, %dma_start3A_83] : memref<10000x64xf32, #tpu.memory_space<hbm>> -> memref<10000x64xf32, #tpu.memory_space<hbm>>
        tpu.enqueue_indirect_dma source(%dma_start3A_84 : memref<10000x64xf32, #tpu.memory_space<hbm>>) target(%arg9 : memref<96x64xf32, #tpu.memory_space<vmem>>) offsets(%dma_start3A_81 : memref<96xi32, #tpu.memory_space<vmem>>) semaphore(%run_scoped3A_80 : memref<!tpu.dma_semaphore, #tpu.memory_space<semaphore_mem>>)
        %dma_wait3A_85 = tpu.memref_slice %arg7[%mul3A_71] : memref<10176xi32, #tpu.memory_space<vmem>> -> memref<96xi32, #tpu.memory_space<vmem>>
        %dma_wait3A_86 = arith.constant 0 : i32
        %dma_wait3A_87 = arith.constant 0 : i32
        %dma_wait3A_88 = tpu.memref_slice %arg4[%dma_wait3A_86, %dma_wait3A_87] : memref<10000x64xf32, #tpu.memory_space<hbm>> -> memref<10000x64xf32, #tpu.memory_space<hbm>>
        tpu.wait_indirect_dma semaphore(%run_scoped3A_80 : memref<!tpu.dma_semaphore, #tpu.memory_space<semaphore_mem>>) src(%dma_wait3A_88 : memref<10000x64xf32, #tpu.memory_space<hbm>>) dst(%arg9 : memref<96x64xf32, #tpu.memory_space<vmem>>)
        tpu.yield
      }) : () -> ()
      %add3A_72 = arith.constant 1 : i32
      %add3A_73 = arith.addi %mul3A_43, %add3A_72 : i32
      %dma_wait3A_74 = arith.constant 0 : i32
      %dma_wait3A_75 = tpu.memref_slice %arg8[%add3A_73, %dma_wait3A_74] : memref<106x96xi32, #tpu.memory_space<vmem>> -> memref<1x96xi32, #tpu.memory_space<vmem>>
      %dma_wait3A_76 = tpu.memref_squeeze %dma_wait3A_75 : memref<1x96xi32, #tpu.memory_space<vmem>> -> memref<96xi32, #tpu.memory_space<vmem>>
      %dma_wait3A_77 = arith.constant 0 : i32
      %dma_wait3A_78 = arith.constant 0 : i32
      %dma_wait3A_79 = tpu.memref_slice %arg11[%dma_wait3A_77, %dma_wait3A_78] : memref<10240x64xf32, #tpu.memory_space<vmem_shared>> -> memref<10240x64xf32, #tpu.memory_space<vmem_shared>>
      tpu.wait_indirect_dma semaphore(%arg12 : memref<!tpu.dma_semaphore, #tpu.memory_space<semaphore_mem>>) src(%arg10 : memref<96x64xf32, #tpu.memory_space<vmem>>) dst(%dma_wait3A_79 : memref<10240x64xf32, #tpu.memory_space<vmem_shared>>)
    }
    %scan3A_9 = arith.constant 52 : i32
    %dma_start3A = arith.constant 104 : i32
    %dma_start3A_10 = arith.constant 0 : i32
    %dma_start3A_11 = tpu.memref_slice %arg8[%dma_start3A, %dma_start3A_10] : memref<106x96xi32, #tpu.memory_space<vmem>> -> memref<1x96xi32, #tpu.memory_space<vmem>>
    %dma_start3A_12 = tpu.memref_squeeze %dma_start3A_11 : memref<1x96xi32, #tpu.memory_space<vmem>> -> memref<96xi32, #tpu.memory_space<vmem>>
    %dma_start3A_13 = arith.constant 0 : i32
    %dma_start3A_14 = arith.constant 0 : i32
    %dma_start3A_15 = tpu.memref_slice %arg11[%dma_start3A_13, %dma_start3A_14] : memref<10240x64xf32, #tpu.memory_space<vmem_shared>> -> memref<10240x64xf32, #tpu.memory_space<vmem_shared>>
    tpu.enqueue_indirect_dma source(%arg9 : memref<96x64xf32, #tpu.memory_space<vmem>>) target(%dma_start3A_15 : memref<10240x64xf32, #tpu.memory_space<vmem_shared>>) offsets(%dma_start3A_12 : memref<96xi32, #tpu.memory_space<vmem>>) semaphore(%arg12 : memref<!tpu.dma_semaphore, #tpu.memory_space<semaphore_mem>>) {add = true}
    "tpu.region"() ({
      %run_scoped3A_41 = tpu.sem_alloc : memref<!tpu.dma_semaphore, #tpu.memory_space<semaphore_mem>>
      %dma_start3A_42 = arith.constant 10080 : i32
      %dma_start3A_43 = tpu.memref_slice %arg7[%dma_start3A_42] : memref<10176xi32, #tpu.memory_space<vmem>> -> memref<96xi32, #tpu.memory_space<vmem>>
      %dma_start3A_44 = arith.constant 0 : i32
      %dma_start3A_45 = arith.constant 0 : i32
      %dma_start3A_46 = tpu.memref_slice %arg4[%dma_start3A_44, %dma_start3A_45] : memref<10000x64xf32, #tpu.memory_space<hbm>> -> memref<10000x64xf32, #tpu.memory_space<hbm>>
      tpu.enqueue_indirect_dma source(%dma_start3A_46 : memref<10000x64xf32, #tpu.memory_space<hbm>>) target(%arg10 : memref<96x64xf32, #tpu.memory_space<vmem>>) offsets(%dma_start3A_43 : memref<96xi32, #tpu.memory_space<vmem>>) semaphore(%run_scoped3A_41 : memref<!tpu.dma_semaphore, #tpu.memory_space<semaphore_mem>>)
      %dma_wait3A_47 = arith.constant 10080 : i32
      %dma_wait3A_48 = tpu.memref_slice %arg7[%dma_wait3A_47] : memref<10176xi32, #tpu.memory_space<vmem>> -> memref<96xi32, #tpu.memory_space<vmem>>
      %dma_wait3A_49 = arith.constant 0 : i32
      %dma_wait3A_50 = arith.constant 0 : i32
      %dma_wait3A_51 = tpu.memref_slice %arg4[%dma_wait3A_49, %dma_wait3A_50] : memref<10000x64xf32, #tpu.memory_space<hbm>> -> memref<10000x64xf32, #tpu.memory_space<hbm>>
      tpu.wait_indirect_dma semaphore(%run_scoped3A_41 : memref<!tpu.dma_semaphore, #tpu.memory_space<semaphore_mem>>) src(%dma_wait3A_51 : memref<10000x64xf32, #tpu.memory_space<hbm>>) dst(%arg10 : memref<96x64xf32, #tpu.memory_space<vmem>>)
      tpu.yield
    }) : () -> ()
    %dma_wait3A = arith.constant 104 : i32
    %dma_wait3A_16 = arith.constant 0 : i32
    %dma_wait3A_17 = tpu.memref_slice %arg8[%dma_wait3A, %dma_wait3A_16] : memref<106x96xi32, #tpu.memory_space<vmem>> -> memref<1x96xi32, #tpu.memory_space<vmem>>
    %dma_wait3A_18 = tpu.memref_squeeze %dma_wait3A_17 : memref<1x96xi32, #tpu.memory_space<vmem>> -> memref<96xi32, #tpu.memory_space<vmem>>
    %dma_wait3A_19 = arith.constant 0 : i32
    %dma_wait3A_20 = arith.constant 0 : i32
    %dma_wait3A_21 = tpu.memref_slice %arg11[%dma_wait3A_19, %dma_wait3A_20] : memref<10240x64xf32, #tpu.memory_space<vmem_shared>> -> memref<10240x64xf32, #tpu.memory_space<vmem_shared>>
    tpu.wait_indirect_dma semaphore(%arg12 : memref<!tpu.dma_semaphore, #tpu.memory_space<semaphore_mem>>) src(%arg9 : memref<96x64xf32, #tpu.memory_space<vmem>>) dst(%dma_wait3A_21 : memref<10240x64xf32, #tpu.memory_space<vmem_shared>>)
    %dma_start3A_22 = arith.constant 105 : i32
    %dma_start3A_23 = arith.constant 0 : i32
    %dma_start3A_24 = tpu.memref_slice %arg8[%dma_start3A_22, %dma_start3A_23] : memref<106x96xi32, #tpu.memory_space<vmem>> -> memref<1x96xi32, #tpu.memory_space<vmem>>
    %dma_start3A_25 = tpu.memref_squeeze %dma_start3A_24 : memref<1x96xi32, #tpu.memory_space<vmem>> -> memref<96xi32, #tpu.memory_space<vmem>>
    %dma_start3A_26 = arith.constant 0 : i32
    %dma_start3A_27 = arith.constant 0 : i32
    %dma_start3A_28 = tpu.memref_slice %arg11[%dma_start3A_26, %dma_start3A_27] : memref<10240x64xf32, #tpu.memory_space<vmem_shared>> -> memref<10240x64xf32, #tpu.memory_space<vmem_shared>>
    tpu.enqueue_indirect_dma source(%arg10 : memref<96x64xf32, #tpu.memory_space<vmem>>) target(%dma_start3A_28 : memref<10240x64xf32, #tpu.memory_space<vmem_shared>>) offsets(%dma_start3A_25 : memref<96xi32, #tpu.memory_space<vmem>>) semaphore(%arg12 : memref<!tpu.dma_semaphore, #tpu.memory_space<semaphore_mem>>) {add = true}
    %dma_wait3A_29 = arith.constant 105 : i32
    %dma_wait3A_30 = arith.constant 0 : i32
    %dma_wait3A_31 = tpu.memref_slice %arg8[%dma_wait3A_29, %dma_wait3A_30] : memref<106x96xi32, #tpu.memory_space<vmem>> -> memref<1x96xi32, #tpu.memory_space<vmem>>
    %dma_wait3A_32 = tpu.memref_squeeze %dma_wait3A_31 : memref<1x96xi32, #tpu.memory_space<vmem>> -> memref<96xi32, #tpu.memory_space<vmem>>
    %dma_wait3A_33 = arith.constant 0 : i32
    %dma_wait3A_34 = arith.constant 0 : i32
    %dma_wait3A_35 = tpu.memref_slice %arg11[%dma_wait3A_33, %dma_wait3A_34] : memref<10240x64xf32, #tpu.memory_space<vmem_shared>> -> memref<10240x64xf32, #tpu.memory_space<vmem_shared>>
    tpu.wait_indirect_dma semaphore(%arg12 : memref<!tpu.dma_semaphore, #tpu.memory_space<semaphore_mem>>) src(%arg10 : memref<96x64xf32, #tpu.memory_space<vmem>>) dst(%dma_wait3A_35 : memref<10240x64xf32, #tpu.memory_space<vmem_shared>>)
    %barrier3A_36 = arith.constant 0 : index
    tpu.barrier barrier_id(%barrier3A_36)
    %mul3A_37 = arith.constant 640 : i32
    %mul3A_38 = arith.muli %arg1, %mul3A_37 : i32
    %mul3A_39 = arith.constant 640 : i32
    %mul3A_40 = arith.muli %arg1, %mul3A_39 : i32
    "tpu.region"() ({
      %run_scoped3A_41 = tpu.sem_alloc : memref<!tpu.dma_semaphore, #tpu.memory_space<semaphore_mem>>
      %dma_start3A_42 = arith.constant 0 : i32
      %dma_start3A_43 = tpu.memref_slice %arg6[%arg0, %mul3A_40, %dma_start3A_42] : memref<2x10240x64xf32, #tpu.memory_space<hbm>> -> memref<1x640x64xf32, #tpu.memory_space<hbm>>
      %dma_start3A_44 = tpu.memref_squeeze %dma_start3A_43 : memref<1x640x64xf32, #tpu.memory_space<hbm>> -> memref<640x64xf32, #tpu.memory_space<hbm>>
      %dma_start3A_45 = arith.constant 0 : i32
      %dma_start3A_46 = tpu.memref_slice %arg11[%mul3A_38, %dma_start3A_45] : memref<10240x64xf32, #tpu.memory_space<vmem_shared>> -> memref<640x64xf32, #tpu.memory_space<vmem_shared>>
      tpu.enqueue_dma source(%dma_start3A_46 : memref<640x64xf32, #tpu.memory_space<vmem_shared>>) target(%dma_start3A_44 : memref<640x64xf32, #tpu.memory_space<hbm>>) target_semaphore(%run_scoped3A_41 : memref<!tpu.dma_semaphore, #tpu.memory_space<semaphore_mem>>)
      %dma_wait3A_47 = arith.constant 0 : i32
      %dma_wait3A_48 = tpu.memref_slice %arg6[%arg0, %mul3A_40, %dma_wait3A_47] : memref<2x10240x64xf32, #tpu.memory_space<hbm>> -> memref<1x640x64xf32, #tpu.memory_space<hbm>>
      %dma_wait3A_49 = tpu.memref_squeeze %dma_wait3A_48 : memref<1x640x64xf32, #tpu.memory_space<hbm>> -> memref<640x64xf32, #tpu.memory_space<hbm>>
      %dma_wait3A_50 = arith.constant 0 : i32
      %dma_wait3A_51 = tpu.memref_slice %arg11[%mul3A_38, %dma_wait3A_50] : memref<10240x64xf32, #tpu.memory_space<vmem_shared>> -> memref<640x64xf32, #tpu.memory_space<vmem_shared>>
      tpu.wait_dma2 semaphore(%run_scoped3A_41 : memref<!tpu.dma_semaphore, #tpu.memory_space<semaphore_mem>>) src(%dma_wait3A_51 : memref<640x64xf32, #tpu.memory_space<vmem_shared>>) dst(%dma_wait3A_49 : memref<640x64xf32, #tpu.memory_space<hbm>>)
      tpu.yield
    }) : () -> ()
    return
  }
}

#map = affine_map<(d0, d1) -> (0, 0, 0)>
#map1 = affine_map<(d0, d1) -> (0, 0)>
module attributes {stable_mosaic.version = 14 : i64} {
  func.func @_sc_deg_body(%arg0: i32, %arg1: i32, %arg2: memref<32x106x96xi32, #tpu.memory_space<hbm>>, %arg3: memref<96x64xi32, #tpu.memory_space<hbm>>, %arg4: memref<10240x64xi32, #tpu.memory_space<hbm>>, %arg5: memref<2x10240x16xi32, #tpu.memory_space<hbm>>, %arg6: memref<106x96xi32, #tpu.memory_space<vmem>>, %arg7: memref<96x64xi32, #tpu.memory_space<vmem>>, %arg8: memref<10240x64xi32, #tpu.memory_space<vmem_shared>>, %arg9: memref<!tpu.dma_semaphore, #tpu.memory_space<semaphore_mem>>) attributes {dimension_semantics = [#tpu.dimension_semantics<core_parallel>, #tpu.dimension_semantics<subcore_parallel>], iteration_bounds = array<i64: 2, 16>, scalar_prefetch = 0 : i64, scratch_operands = 4 : i64, tpu.core_type = #tpu.core_type<sc_vector_subcore>, window_params = [{transform_indices = #map}, {transform_indices = #map1}, {transform_indices = #map1}, {transform_indices = #map}]} {
    %mul3A = arith.constant 2 : i32
    %mul3A_0 = arith.muli %arg1, %mul3A : i32
    %add3A = arith.addi %mul3A_0, %arg0 : i32
    %mul3A_1 = arith.constant 640 : i32
    %mul3A_2 = arith.muli %arg1, %mul3A_1 : i32
    %mul3A_3 = arith.constant 640 : i32
    %mul3A_4 = arith.muli %arg1, %mul3A_3 : i32
    "tpu.region"() ({
      %run_scoped3A = tpu.sem_alloc : memref<!tpu.dma_semaphore, #tpu.memory_space<semaphore_mem>>
      %dma_start3A_69 = arith.constant 0 : i32
      %dma_start3A_70 = tpu.memref_slice %arg8[%mul3A_4, %dma_start3A_69] : memref<10240x64xi32, #tpu.memory_space<vmem_shared>> -> memref<640x64xi32, #tpu.memory_space<vmem_shared>>
      %dma_start3A_71 = arith.constant 0 : i32
      %dma_start3A_72 = tpu.memref_slice %arg4[%mul3A_2, %dma_start3A_71] : memref<10240x64xi32, #tpu.memory_space<hbm>> -> memref<640x64xi32, #tpu.memory_space<hbm>>
      tpu.enqueue_dma source(%dma_start3A_72 : memref<640x64xi32, #tpu.memory_space<hbm>>) target(%dma_start3A_70 : memref<640x64xi32, #tpu.memory_space<vmem_shared>>) target_semaphore(%run_scoped3A : memref<!tpu.dma_semaphore, #tpu.memory_space<semaphore_mem>>)
      %dma_wait3A_73 = arith.constant 0 : i32
      %dma_wait3A_74 = tpu.memref_slice %arg8[%mul3A_4, %dma_wait3A_73] : memref<10240x64xi32, #tpu.memory_space<vmem_shared>> -> memref<640x64xi32, #tpu.memory_space<vmem_shared>>
      %dma_wait3A_75 = arith.constant 0 : i32
      %dma_wait3A_76 = tpu.memref_slice %arg4[%mul3A_2, %dma_wait3A_75] : memref<10240x64xi32, #tpu.memory_space<hbm>> -> memref<640x64xi32, #tpu.memory_space<hbm>>
      tpu.wait_dma2 semaphore(%run_scoped3A : memref<!tpu.dma_semaphore, #tpu.memory_space<semaphore_mem>>) src(%dma_wait3A_76 : memref<640x64xi32, #tpu.memory_space<hbm>>) dst(%dma_wait3A_74 : memref<640x64xi32, #tpu.memory_space<vmem_shared>>)
      tpu.yield
    }) : () -> ()
    "tpu.region"() ({
      %run_scoped3A = tpu.sem_alloc : memref<!tpu.dma_semaphore, #tpu.memory_space<semaphore_mem>>
      tpu.enqueue_dma source(%arg3 : memref<96x64xi32, #tpu.memory_space<hbm>>) target(%arg7 : memref<96x64xi32, #tpu.memory_space<vmem>>) target_semaphore(%run_scoped3A : memref<!tpu.dma_semaphore, #tpu.memory_space<semaphore_mem>>)
      tpu.wait_dma2 semaphore(%run_scoped3A : memref<!tpu.dma_semaphore, #tpu.memory_space<semaphore_mem>>) src(%arg3 : memref<96x64xi32, #tpu.memory_space<hbm>>) dst(%arg7 : memref<96x64xi32, #tpu.memory_space<vmem>>)
      tpu.yield
    }) : () -> ()
    "tpu.region"() ({
      %run_scoped3A = tpu.sem_alloc : memref<!tpu.dma_semaphore, #tpu.memory_space<semaphore_mem>>
      %dma_start3A_69 = arith.constant 0 : i32
      %dma_start3A_70 = arith.constant 0 : i32
      %dma_start3A_71 = tpu.memref_slice %arg2[%add3A, %dma_start3A_69, %dma_start3A_70] : memref<32x106x96xi32, #tpu.memory_space<hbm>> -> memref<1x106x96xi32, #tpu.memory_space<hbm>>
      %dma_start3A_72 = tpu.memref_squeeze %dma_start3A_71 : memref<1x106x96xi32, #tpu.memory_space<hbm>> -> memref<106x96xi32, #tpu.memory_space<hbm>>
      %dma_start3A_73 = arith.constant 0 : i32
      %dma_start3A_74 = arith.constant 0 : i32
      %dma_start3A_75 = tpu.memref_slice %arg2[%add3A, %dma_start3A_73, %dma_start3A_74] : memref<32x106x96xi32, #tpu.memory_space<hbm>> -> memref<1x106x96xi32, #tpu.memory_space<hbm>>
      %dma_start3A_76 = tpu.memref_squeeze %dma_start3A_75 : memref<1x106x96xi32, #tpu.memory_space<hbm>> -> memref<106x96xi32, #tpu.memory_space<hbm>>
      tpu.enqueue_dma source(%dma_start3A_76 : memref<106x96xi32, #tpu.memory_space<hbm>>) target(%arg6 : memref<106x96xi32, #tpu.memory_space<vmem>>) target_semaphore(%run_scoped3A : memref<!tpu.dma_semaphore, #tpu.memory_space<semaphore_mem>>)
      %dma_wait3A_77 = arith.constant 0 : i32
      %dma_wait3A_78 = arith.constant 0 : i32
      %dma_wait3A_79 = tpu.memref_slice %arg2[%add3A, %dma_wait3A_77, %dma_wait3A_78] : memref<32x106x96xi32, #tpu.memory_space<hbm>> -> memref<1x106x96xi32, #tpu.memory_space<hbm>>
      %dma_wait3A_80 = tpu.memref_squeeze %dma_wait3A_79 : memref<1x106x96xi32, #tpu.memory_space<hbm>> -> memref<106x96xi32, #tpu.memory_space<hbm>>
      %dma_wait3A_81 = arith.constant 0 : i32
      %dma_wait3A_82 = arith.constant 0 : i32
      %dma_wait3A_83 = tpu.memref_slice %arg2[%add3A, %dma_wait3A_81, %dma_wait3A_82] : memref<32x106x96xi32, #tpu.memory_space<hbm>> -> memref<1x106x96xi32, #tpu.memory_space<hbm>>
      %dma_wait3A_84 = tpu.memref_squeeze %dma_wait3A_83 : memref<1x106x96xi32, #tpu.memory_space<hbm>> -> memref<106x96xi32, #tpu.memory_space<hbm>>
      tpu.wait_dma2 semaphore(%run_scoped3A : memref<!tpu.dma_semaphore, #tpu.memory_space<semaphore_mem>>) src(%dma_wait3A_84 : memref<106x96xi32, #tpu.memory_space<hbm>>) dst(%arg6 : memref<106x96xi32, #tpu.memory_space<vmem>>)
      tpu.yield
    }) : () -> ()
    %barrier3A = arith.constant 0 : index
    tpu.barrier barrier_id(%barrier3A)
    %dma_start3A = arith.constant 0 : i32
    %dma_start3A_5 = arith.constant 0 : i32
    %dma_start3A_6 = tpu.memref_slice %arg6[%dma_start3A, %dma_start3A_5] : memref<106x96xi32, #tpu.memory_space<vmem>> -> memref<1x96xi32, #tpu.memory_space<vmem>>
    %dma_start3A_7 = tpu.memref_squeeze %dma_start3A_6 : memref<1x96xi32, #tpu.memory_space<vmem>> -> memref<96xi32, #tpu.memory_space<vmem>>
    %dma_start3A_8 = arith.constant 0 : i32
    %dma_start3A_9 = arith.constant 0 : i32
    %dma_start3A_10 = tpu.memref_slice %arg8[%dma_start3A_8, %dma_start3A_9] : memref<10240x64xi32, #tpu.memory_space<vmem_shared>> -> memref<10240x64xi32, #tpu.memory_space<vmem_shared>>
    tpu.enqueue_indirect_dma source(%arg7 : memref<96x64xi32, #tpu.memory_space<vmem>>) target(%dma_start3A_10 : memref<10240x64xi32, #tpu.memory_space<vmem_shared>>) offsets(%dma_start3A_7 : memref<96xi32, #tpu.memory_space<vmem>>) semaphore(%arg9 : memref<!tpu.dma_semaphore, #tpu.memory_space<semaphore_mem>>) {add = true}
    %dma_start3A_11 = arith.constant 1 : i32
    %dma_start3A_12 = arith.constant 0 : i32
    %dma_start3A_13 = tpu.memref_slice %arg6[%dma_start3A_11, %dma_start3A_12] : memref<106x96xi32, #tpu.memory_space<vmem>> -> memref<1x96xi32, #tpu.memory_space<vmem>>
    %dma_start3A_14 = tpu.memref_squeeze %dma_start3A_13 : memref<1x96xi32, #tpu.memory_space<vmem>> -> memref<96xi32, #tpu.memory_space<vmem>>
    %dma_start3A_15 = arith.constant 0 : i32
    %dma_start3A_16 = arith.constant 0 : i32
    %dma_start3A_17 = tpu.memref_slice %arg8[%dma_start3A_15, %dma_start3A_16] : memref<10240x64xi32, #tpu.memory_space<vmem_shared>> -> memref<10240x64xi32, #tpu.memory_space<vmem_shared>>
    tpu.enqueue_indirect_dma source(%arg7 : memref<96x64xi32, #tpu.memory_space<vmem>>) target(%dma_start3A_17 : memref<10240x64xi32, #tpu.memory_space<vmem_shared>>) offsets(%dma_start3A_14 : memref<96xi32, #tpu.memory_space<vmem>>) semaphore(%arg9 : memref<!tpu.dma_semaphore, #tpu.memory_space<semaphore_mem>>) {add = true}
    %dma_start3A_18 = arith.constant 2 : i32
    %dma_start3A_19 = arith.constant 0 : i32
    %dma_start3A_20 = tpu.memref_slice %arg6[%dma_start3A_18, %dma_start3A_19] : memref<106x96xi32, #tpu.memory_space<vmem>> -> memref<1x96xi32, #tpu.memory_space<vmem>>
    %dma_start3A_21 = tpu.memref_squeeze %dma_start3A_20 : memref<1x96xi32, #tpu.memory_space<vmem>> -> memref<96xi32, #tpu.memory_space<vmem>>
    %dma_start3A_22 = arith.constant 0 : i32
    %dma_start3A_23 = arith.constant 0 : i32
    %dma_start3A_24 = tpu.memref_slice %arg8[%dma_start3A_22, %dma_start3A_23] : memref<10240x64xi32, #tpu.memory_space<vmem_shared>> -> memref<10240x64xi32, #tpu.memory_space<vmem_shared>>
    tpu.enqueue_indirect_dma source(%arg7 : memref<96x64xi32, #tpu.memory_space<vmem>>) target(%dma_start3A_24 : memref<10240x64xi32, #tpu.memory_space<vmem_shared>>) offsets(%dma_start3A_21 : memref<96xi32, #tpu.memory_space<vmem>>) semaphore(%arg9 : memref<!tpu.dma_semaphore, #tpu.memory_space<semaphore_mem>>) {add = true}
    %scan3A = arith.constant 0 : i32
    %scan3A_25 = arith.constant 0 : i32
    %scan3A_26 = arith.constant 51 : i32
    %scan3A_27 = arith.addi %scan3A_25, %scan3A_26 : i32
    %scan3A_28 = arith.constant 1 : i32
    scf.for %scan3A_69 = %scan3A_25 to %scan3A_27 step %scan3A_28  : i32 {
      %mul3A_70 = arith.constant 2 : i32
      %mul3A_71 = arith.muli %mul3A_70, %scan3A_69 : i32
      %add3A_72 = arith.constant 3 : i32
      %add3A_73 = arith.addi %mul3A_71, %add3A_72 : i32
      %dma_start3A_74 = arith.constant 0 : i32
      %dma_start3A_75 = tpu.memref_slice %arg6[%add3A_73, %dma_start3A_74] : memref<106x96xi32, #tpu.memory_space<vmem>> -> memref<1x96xi32, #tpu.memory_space<vmem>>
      %dma_start3A_76 = tpu.memref_squeeze %dma_start3A_75 : memref<1x96xi32, #tpu.memory_space<vmem>> -> memref<96xi32, #tpu.memory_space<vmem>>
      %dma_start3A_77 = arith.constant 0 : i32
      %dma_start3A_78 = arith.constant 0 : i32
      %dma_start3A_79 = tpu.memref_slice %arg8[%dma_start3A_77, %dma_start3A_78] : memref<10240x64xi32, #tpu.memory_space<vmem_shared>> -> memref<10240x64xi32, #tpu.memory_space<vmem_shared>>
      tpu.enqueue_indirect_dma source(%arg7 : memref<96x64xi32, #tpu.memory_space<vmem>>) target(%dma_start3A_79 : memref<10240x64xi32, #tpu.memory_space<vmem_shared>>) offsets(%dma_start3A_76 : memref<96xi32, #tpu.memory_space<vmem>>) semaphore(%arg9 : memref<!tpu.dma_semaphore, #tpu.memory_space<semaphore_mem>>) {add = true}
      %dma_wait3A_80 = arith.constant 0 : i32
      %dma_wait3A_81 = tpu.memref_slice %arg6[%mul3A_71, %dma_wait3A_80] : memref<106x96xi32, #tpu.memory_space<vmem>> -> memref<1x96xi32, #tpu.memory_space<vmem>>
      %dma_wait3A_82 = tpu.memref_squeeze %dma_wait3A_81 : memref<1x96xi32, #tpu.memory_space<vmem>> -> memref<96xi32, #tpu.memory_space<vmem>>
      %dma_wait3A_83 = arith.constant 0 : i32
      %dma_wait3A_84 = arith.constant 0 : i32
      %dma_wait3A_85 = tpu.memref_slice %arg8[%dma_wait3A_83, %dma_wait3A_84] : memref<10240x64xi32, #tpu.memory_space<vmem_shared>> -> memref<10240x64xi32, #tpu.memory_space<vmem_shared>>
      tpu.wait_indirect_dma semaphore(%arg9 : memref<!tpu.dma_semaphore, #tpu.memory_space<semaphore_mem>>) src(%arg7 : memref<96x64xi32, #tpu.memory_space<vmem>>) dst(%dma_wait3A_85 : memref<10240x64xi32, #tpu.memory_space<vmem_shared>>)
      %add3A_86 = arith.constant 4 : i32
      %add3A_87 = arith.addi %mul3A_71, %add3A_86 : i32
      %dma_start3A_88 = arith.constant 0 : i32
      %dma_start3A_89 = tpu.memref_slice %arg6[%add3A_87, %dma_start3A_88] : memref<106x96xi32, #tpu.memory_space<vmem>> -> memref<1x96xi32, #tpu.memory_space<vmem>>
      %dma_start3A_90 = tpu.memref_squeeze %dma_start3A_89 : memref<1x96xi32, #tpu.memory_space<vmem>> -> memref<96xi32, #tpu.memory_space<vmem>>
      %dma_start3A_91 = arith.constant 0 : i32
      %dma_start3A_92 = arith.constant 0 : i32
      %dma_start3A_93 = tpu.memref_slice %arg8[%dma_start3A_91, %dma_start3A_92] : memref<10240x64xi32, #tpu.memory_space<vmem_shared>> -> memref<10240x64xi32, #tpu.memory_space<vmem_shared>>
      tpu.enqueue_indirect_dma source(%arg7 : memref<96x64xi32, #tpu.memory_space<vmem>>) target(%dma_start3A_93 : memref<10240x64xi32, #tpu.memory_space<vmem_shared>>) offsets(%dma_start3A_90 : memref<96xi32, #tpu.memory_space<vmem>>) semaphore(%arg9 : memref<!tpu.dma_semaphore, #tpu.memory_space<semaphore_mem>>) {add = true}
      %add3A_94 = arith.constant 1 : i32
      %add3A_95 = arith.addi %mul3A_71, %add3A_94 : i32
      %dma_wait3A_96 = arith.constant 0 : i32
      %dma_wait3A_97 = tpu.memref_slice %arg6[%add3A_95, %dma_wait3A_96] : memref<106x96xi32, #tpu.memory_space<vmem>> -> memref<1x96xi32, #tpu.memory_space<vmem>>
      %dma_wait3A_98 = tpu.memref_squeeze %dma_wait3A_97 : memref<1x96xi32, #tpu.memory_space<vmem>> -> memref<96xi32, #tpu.memory_space<vmem>>
      %dma_wait3A_99 = arith.constant 0 : i32
      %dma_wait3A_100 = arith.constant 0 : i32
      %dma_wait3A_101 = tpu.memref_slice %arg8[%dma_wait3A_99, %dma_wait3A_100] : memref<10240x64xi32, #tpu.memory_space<vmem_shared>> -> memref<10240x64xi32, #tpu.memory_space<vmem_shared>>
      tpu.wait_indirect_dma semaphore(%arg9 : memref<!tpu.dma_semaphore, #tpu.memory_space<semaphore_mem>>) src(%arg7 : memref<96x64xi32, #tpu.memory_space<vmem>>) dst(%dma_wait3A_101 : memref<10240x64xi32, #tpu.memory_space<vmem_shared>>)
    }
    %scan3A_29 = arith.constant 51 : i32
    %dma_start3A_30 = arith.constant 105 : i32
    %dma_start3A_31 = arith.constant 0 : i32
    %dma_start3A_32 = tpu.memref_slice %arg6[%dma_start3A_30, %dma_start3A_31] : memref<106x96xi32, #tpu.memory_space<vmem>> -> memref<1x96xi32, #tpu.memory_space<vmem>>
    %dma_start3A_33 = tpu.memref_squeeze %dma_start3A_32 : memref<1x96xi32, #tpu.memory_space<vmem>> -> memref<96xi32, #tpu.memory_space<vmem>>
    %dma_start3A_34 = arith.constant 0 : i32
    %dma_start3A_35 = arith.constant 0 : i32
    %dma_start3A_36 = tpu.memref_slice %arg8[%dma_start3A_34, %dma_start3A_35] : memref<10240x64xi32, #tpu.memory_space<vmem_shared>> -> memref<10240x64xi32, #tpu.memory_space<vmem_shared>>
    tpu.enqueue_indirect_dma source(%arg7 : memref<96x64xi32, #tpu.memory_space<vmem>>) target(%dma_start3A_36 : memref<10240x64xi32, #tpu.memory_space<vmem_shared>>) offsets(%dma_start3A_33 : memref<96xi32, #tpu.memory_space<vmem>>) semaphore(%arg9 : memref<!tpu.dma_semaphore, #tpu.memory_space<semaphore_mem>>) {add = true}
    %dma_wait3A = arith.constant 102 : i32
    %dma_wait3A_37 = arith.constant 0 : i32
    %dma_wait3A_38 = tpu.memref_slice %arg6[%dma_wait3A, %dma_wait3A_37] : memref<106x96xi32, #tpu.memory_space<vmem>> -> memref<1x96xi32, #tpu.memory_space<vmem>>
    %dma_wait3A_39 = tpu.memref_squeeze %dma_wait3A_38 : memref<1x96xi32, #tpu.memory_space<vmem>> -> memref<96xi32, #tpu.memory_space<vmem>>
    %dma_wait3A_40 = arith.constant 0 : i32
    %dma_wait3A_41 = arith.constant 0 : i32
    %dma_wait3A_42 = tpu.memref_slice %arg8[%dma_wait3A_40, %dma_wait3A_41] : memref<10240x64xi32, #tpu.memory_space<vmem_shared>> -> memref<10240x64xi32, #tpu.memory_space<vmem_shared>>
    tpu.wait_indirect_dma semaphore(%arg9 : memref<!tpu.dma_semaphore, #tpu.memory_space<semaphore_mem>>) src(%arg7 : memref<96x64xi32, #tpu.memory_space<vmem>>) dst(%dma_wait3A_42 : memref<10240x64xi32, #tpu.memory_space<vmem_shared>>)
    %dma_wait3A_43 = arith.constant 103 : i32
    %dma_wait3A_44 = arith.constant 0 : i32
    %dma_wait3A_45 = tpu.memref_slice %arg6[%dma_wait3A_43, %dma_wait3A_44] : memref<106x96xi32, #tpu.memory_space<vmem>> -> memref<1x96xi32, #tpu.memory_space<vmem>>
    %dma_wait3A_46 = tpu.memref_squeeze %dma_wait3A_45 : memref<1x96xi32, #tpu.memory_space<vmem>> -> memref<96xi32, #tpu.memory_space<vmem>>
    %dma_wait3A_47 = arith.constant 0 : i32
    %dma_wait3A_48 = arith.constant 0 : i32
    %dma_wait3A_49 = tpu.memref_slice %arg8[%dma_wait3A_47, %dma_wait3A_48] : memref<10240x64xi32, #tpu.memory_space<vmem_shared>> -> memref<10240x64xi32, #tpu.memory_space<vmem_shared>>
    tpu.wait_indirect_dma semaphore(%arg9 : memref<!tpu.dma_semaphore, #tpu.memory_space<semaphore_mem>>) src(%arg7 : memref<96x64xi32, #tpu.memory_space<vmem>>) dst(%dma_wait3A_49 : memref<10240x64xi32, #tpu.memory_space<vmem_shared>>)
    %dma_wait3A_50 = arith.constant 104 : i32
    %dma_wait3A_51 = arith.constant 0 : i32
    %dma_wait3A_52 = tpu.memref_slice %arg6[%dma_wait3A_50, %dma_wait3A_51] : memref<106x96xi32, #tpu.memory_space<vmem>> -> memref<1x96xi32, #tpu.memory_space<vmem>>
    %dma_wait3A_53 = tpu.memref_squeeze %dma_wait3A_52 : memref<1x96xi32, #tpu.memory_space<vmem>> -> memref<96xi32, #tpu.memory_space<vmem>>
    %dma_wait3A_54 = arith.constant 0 : i32
    %dma_wait3A_55 = arith.constant 0 : i32
    %dma_wait3A_56 = tpu.memref_slice %arg8[%dma_wait3A_54, %dma_wait3A_55] : memref<10240x64xi32, #tpu.memory_space<vmem_shared>> -> memref<10240x64xi32, #tpu.memory_space<vmem_shared>>
    tpu.wait_indirect_dma semaphore(%arg9 : memref<!tpu.dma_semaphore, #tpu.memory_space<semaphore_mem>>) src(%arg7 : memref<96x64xi32, #tpu.memory_space<vmem>>) dst(%dma_wait3A_56 : memref<10240x64xi32, #tpu.memory_space<vmem_shared>>)
    %dma_wait3A_57 = arith.constant 105 : i32
    %dma_wait3A_58 = arith.constant 0 : i32
    %dma_wait3A_59 = tpu.memref_slice %arg6[%dma_wait3A_57, %dma_wait3A_58] : memref<106x96xi32, #tpu.memory_space<vmem>> -> memref<1x96xi32, #tpu.memory_space<vmem>>
    %dma_wait3A_60 = tpu.memref_squeeze %dma_wait3A_59 : memref<1x96xi32, #tpu.memory_space<vmem>> -> memref<96xi32, #tpu.memory_space<vmem>>
    %dma_wait3A_61 = arith.constant 0 : i32
    %dma_wait3A_62 = arith.constant 0 : i32
    %dma_wait3A_63 = tpu.memref_slice %arg8[%dma_wait3A_61, %dma_wait3A_62] : memref<10240x64xi32, #tpu.memory_space<vmem_shared>> -> memref<10240x64xi32, #tpu.memory_space<vmem_shared>>
    tpu.wait_indirect_dma semaphore(%arg9 : memref<!tpu.dma_semaphore, #tpu.memory_space<semaphore_mem>>) src(%arg7 : memref<96x64xi32, #tpu.memory_space<vmem>>) dst(%dma_wait3A_63 : memref<10240x64xi32, #tpu.memory_space<vmem_shared>>)
    %barrier3A_64 = arith.constant 0 : index
    tpu.barrier barrier_id(%barrier3A_64)
    %mul3A_65 = arith.constant 640 : i32
    %mul3A_66 = arith.muli %arg1, %mul3A_65 : i32
    %mul3A_67 = arith.constant 640 : i32
    %mul3A_68 = arith.muli %arg1, %mul3A_67 : i32
    "tpu.region"() ({
      %run_scoped3A = tpu.sem_alloc : memref<!tpu.dma_semaphore, #tpu.memory_space<semaphore_mem>>
      %dma_start3A_69 = arith.constant 0 : i32
      %dma_start3A_70 = tpu.memref_slice %arg5[%arg0, %mul3A_68, %dma_start3A_69] : memref<2x10240x16xi32, #tpu.memory_space<hbm>> -> memref<1x640x16xi32, #tpu.memory_space<hbm>>
      %dma_start3A_71 = tpu.memref_squeeze %dma_start3A_70 : memref<1x640x16xi32, #tpu.memory_space<hbm>> -> memref<640x16xi32, #tpu.memory_space<hbm>>
      %dma_start3A_72 = arith.constant 0 : i32
      %dma_start3A_73 = tpu.memref_slice %arg8[%mul3A_66, %dma_start3A_72] : memref<10240x64xi32, #tpu.memory_space<vmem_shared>> -> memref<640x16xi32, #tpu.memory_space<vmem_shared>>
      tpu.enqueue_dma source(%dma_start3A_73 : memref<640x16xi32, #tpu.memory_space<vmem_shared>>) target(%dma_start3A_71 : memref<640x16xi32, #tpu.memory_space<hbm>>) target_semaphore(%run_scoped3A : memref<!tpu.dma_semaphore, #tpu.memory_space<semaphore_mem>>)
      %dma_wait3A_74 = arith.constant 0 : i32
      %dma_wait3A_75 = tpu.memref_slice %arg5[%arg0, %mul3A_68, %dma_wait3A_74] : memref<2x10240x16xi32, #tpu.memory_space<hbm>> -> memref<1x640x16xi32, #tpu.memory_space<hbm>>
      %dma_wait3A_76 = tpu.memref_squeeze %dma_wait3A_75 : memref<1x640x16xi32, #tpu.memory_space<hbm>> -> memref<640x16xi32, #tpu.memory_space<hbm>>
      %dma_wait3A_77 = arith.constant 0 : i32
      %dma_wait3A_78 = tpu.memref_slice %arg8[%mul3A_66, %dma_wait3A_77] : memref<10240x64xi32, #tpu.memory_space<vmem_shared>> -> memref<640x16xi32, #tpu.memory_space<vmem_shared>>
      tpu.wait_dma2 semaphore(%run_scoped3A : memref<!tpu.dma_semaphore, #tpu.memory_space<semaphore_mem>>) src(%dma_wait3A_78 : memref<640x16xi32, #tpu.memory_space<vmem_shared>>) dst(%dma_wait3A_76 : memref<640x16xi32, #tpu.memory_space<hbm>>)
      tpu.yield
    }) : () -> ()
    return
  }
}

module attributes {stable_mosaic.version = 14 : i64} {
  func.func @_tc_mm1_body(%arg0: i32, %arg1: memref<2000x128xf32, #tpu.memory_space<vmem>>, %arg2: memref<128x128xf32, #tpu.memory_space<vmem>>, %arg3: memref<2x2000x16xi32, #tpu.memory_space<vmem>>, %arg4: memref<2000x128xf32, #tpu.memory_space<vmem>>, %arg5: memref<2000x1xf32, #tpu.memory_space<vmem>>) attributes {dimension_semantics = [#tpu.dimension_semantics<arbitrary>], iteration_bounds = array<i64: 5>, scalar_prefetch = 0 : i64, scratch_operands = 0 : i64, tpu.core_type = #tpu.core_type<tc>, window_params = [{transform_indices = @transform_0, window_bounds = array<i64: 2000, 128>}, {pipeline_mode = #tpu.pipeline_mode<synchronous>, transform_indices = @transform_1, window_bounds = array<i64: 128, 128>}, {transform_indices = @transform_2, window_bounds = array<i64: 2, 2000, 16>}, {transform_indices = @transform_3, window_bounds = array<i64: 2000, 128>}, {transform_indices = @transform_4, window_bounds = array<i64: 2000, 1>}]} {
    %get3A = arith.constant 0 : index
    %get3A_0 = arith.constant 0 : index
    %get3A_1 = arith.constant 0 : index
    %get3A_2 = vector.load %arg3[%get3A, %get3A_0, %get3A_1] : memref<2x2000x16xi32, #tpu.memory_space<vmem>>, vector<1x2000x1xi32>
    %get3A_3 = vector.shape_cast %get3A_2 : vector<1x2000x1xi32> to vector<2000x1xi32>
    %get3A_4 = arith.constant 1 : index
    %get3A_5 = arith.constant 0 : index
    %get3A_6 = arith.constant 0 : index
    %get3A_7 = vector.load %arg3[%get3A_4, %get3A_5, %get3A_6] : memref<2x2000x16xi32, #tpu.memory_space<vmem>>, vector<1x2000x1xi32>
    %get3A_8 = vector.shape_cast %get3A_7 : vector<1x2000x1xi32> to vector<2000x1xi32>
    %add3A = arith.addi %get3A_3, %get3A_8 : vector<2000x1xi32>
    %and3A = arith.constant 65535 : i32
    %and3A_9 = vector.broadcast %and3A : i32 to vector<2000x1xi32>
    %and3A_10 = arith.andi %add3A, %and3A_9 : vector<2000x1xi32>
    %convert_element_type3A = arith.sitofp %and3A_10 : vector<2000x1xi32> to vector<2000x1xf32>
    %add3A_11 = arith.constant 1.000000e+00 : f32
    %add3A_12 = vector.broadcast %add3A_11 : f32 to vector<2000x1xf32>
    %add3A_13 = arith.addf %add3A_12, %convert_element_type3A : vector<2000x1xf32>
    %rsqrt3A = math.rsqrt %add3A_13 : vector<2000x1xf32>
    %get3A_14 = arith.constant 0 : index
    %get3A_15 = arith.constant 0 : index
    %get3A_16 = vector.load %arg1[%get3A_14, %get3A_15] : memref<2000x128xf32, #tpu.memory_space<vmem>>, vector<2000x128xf32>
    %get3A_17 = arith.constant 0 : index
    %get3A_18 = arith.constant 0 : index
    %get3A_19 = vector.load %arg2[%get3A_17, %get3A_18] : memref<128x128xf32, #tpu.memory_space<vmem>>, vector<128x128xf32>
    %dot_general3A = arith.constant dense<0.000000e+00> : vector<2000x128xf32>
    %dot_general3A_20 = tpu.matmul %get3A_16, %get3A_19, %dot_general3A {dimension_numbers = #tpu.dot_dimension_numbers<[1], [0], [0], [1], [0, 0, 1, 1], [], []>, transpose_lhs_hint = false} : vector<2000x128xf32>, vector<128x128xf32>, vector<2000x128xf32> -> vector<2000x128xf32>
    %mul3A = vector.broadcast %rsqrt3A : vector<2000x1xf32> to vector<2000x128xf32>
    %mul3A_21 = arith.mulf %mul3A, %dot_general3A_20 : vector<2000x128xf32>
    %swap3A = arith.constant 0 : index
    %swap3A_22 = arith.constant 0 : index
    %swap3A_23 = vector.load %arg4[%swap3A, %swap3A_22] : memref<2000x128xf32, #tpu.memory_space<vmem>>, vector<2000x128xf32>
    tpu.vector_store %arg4[%swap3A, %swap3A_22], %mul3A_21 {strides = array<i32>} : memref<2000x128xf32, #tpu.memory_space<vmem>>, vector<2000x128xf32>,
    %swap3A_24 = arith.constant 0 : index
    %swap3A_25 = arith.constant 0 : index
    %swap3A_26 = vector.load %arg5[%swap3A_24, %swap3A_25] : memref<2000x1xf32, #tpu.memory_space<vmem>>, vector<2000x1xf32>
    tpu.vector_store %arg5[%swap3A_24, %swap3A_25], %rsqrt3A {strides = array<i32>} : memref<2000x1xf32, #tpu.memory_space<vmem>>, vector<2000x1xf32>,
    return
  }
  func.func @transform_0(%arg0: i32) -> (i32, i32) {
    %c0_i32 = arith.constant 0 : i32
    %c0_i32_0 = arith.constant 0 : i32
    return %arg0, %c0_i32 : i32, i32
  }
  func.func @transform_1(%arg0: i32) -> (i32, i32) {
    %c0_i32 = arith.constant 0 : i32
    %c0_i32_0 = arith.constant 0 : i32
    %c0_i32_1 = arith.constant 0 : i32
    return %c0_i32, %c0_i32_0 : i32, i32
  }
  func.func @transform_2(%arg0: i32) -> (i32, i32, i32) {
    %c0_i32 = arith.constant 0 : i32
    %c0_i32_0 = arith.constant 0 : i32
    %c0_i32_1 = arith.constant 0 : i32
    return %c0_i32, %arg0, %c0_i32_0 : i32, i32, i32
  }
  func.func @transform_3(%arg0: i32) -> (i32, i32) {
    %c0_i32 = arith.constant 0 : i32
    %c0_i32_0 = arith.constant 0 : i32
    return %arg0, %c0_i32 : i32, i32
  }
  func.func @transform_4(%arg0: i32) -> (i32, i32) {
    %c0_i32 = arith.constant 0 : i32
    %c0_i32_0 = arith.constant 0 : i32
    return %arg0, %c0_i32 : i32, i32
  }
}

module attributes {stable_mosaic.version = 14 : i64} {
  func.func @_tc_l2_body(%arg0: i32, %arg1: memref<2x2000x128xf32, #tpu.memory_space<vmem>>, %arg2: memref<2000x128xf32, #tpu.memory_space<vmem>>, %arg3: memref<2000x1xf32, #tpu.memory_space<vmem>>, %arg4: memref<128x64xf32, #tpu.memory_space<vmem>>, %arg5: memref<2000x64xf32, #tpu.memory_space<vmem>>) attributes {dimension_semantics = [#tpu.dimension_semantics<arbitrary>], iteration_bounds = array<i64: 5>, scalar_prefetch = 0 : i64, scratch_operands = 0 : i64, tpu.core_type = #tpu.core_type<tc>, window_params = [{transform_indices = @transform_0, window_bounds = array<i64: 2, 2000, 128>}, {transform_indices = @transform_1, window_bounds = array<i64: 2000, 128>}, {transform_indices = @transform_2, window_bounds = array<i64: 2000, 1>}, {pipeline_mode = #tpu.pipeline_mode<synchronous>, transform_indices = @transform_3, window_bounds = array<i64: 128, 64>}, {transform_indices = @transform_4, window_bounds = array<i64: 2000, 64>}]} {
    %get3A = arith.constant 0 : index
    %get3A_0 = arith.constant 0 : index
    %get3A_1 = vector.load %arg3[%get3A, %get3A_0] : memref<2000x1xf32, #tpu.memory_space<vmem>>, vector<2000x1xf32>
    %get3A_2 = arith.constant 0 : index
    %get3A_3 = arith.constant 0 : index
    %get3A_4 = arith.constant 0 : index
    %get3A_5 = vector.load %arg1[%get3A_2, %get3A_3, %get3A_4] : memref<2x2000x128xf32, #tpu.memory_space<vmem>>, vector<1x2000x128xf32>
    %get3A_6 = vector.shape_cast %get3A_5 : vector<1x2000x128xf32> to vector<2000x128xf32>
    %get3A_7 = arith.constant 1 : index
    %get3A_8 = arith.constant 0 : index
    %get3A_9 = arith.constant 0 : index
    %get3A_10 = vector.load %arg1[%get3A_7, %get3A_8, %get3A_9] : memref<2x2000x128xf32, #tpu.memory_space<vmem>>, vector<1x2000x128xf32>
    %get3A_11 = vector.shape_cast %get3A_10 : vector<1x2000x128xf32> to vector<2000x128xf32>
    %add3A = arith.addf %get3A_6, %get3A_11 : vector<2000x128xf32>
    %get3A_12 = arith.constant 0 : index
    %get3A_13 = arith.constant 0 : index
    %get3A_14 = vector.load %arg2[%get3A_12, %get3A_13] : memref<2000x128xf32, #tpu.memory_space<vmem>>, vector<2000x128xf32>
    %add3A_15 = arith.addf %add3A, %get3A_14 : vector<2000x128xf32>
    %mul3A = vector.broadcast %get3A_1 : vector<2000x1xf32> to vector<2000x128xf32>
    %mul3A_16 = arith.mulf %mul3A, %add3A_15 : vector<2000x128xf32>
    %max3A = arith.constant 0.000000e+00 : f32
    %max3A_17 = vector.broadcast %max3A : f32 to vector<2000x128xf32>
    %max3A_18 = arith.maximumf %mul3A_16, %max3A_17 : vector<2000x128xf32>
    %get3A_19 = arith.constant 0 : index
    %get3A_20 = arith.constant 0 : index
    %get3A_21 = vector.load %arg4[%get3A_19, %get3A_20] : memref<128x64xf32, #tpu.memory_space<vmem>>, vector<128x64xf32>
    %dot_general3A = arith.constant dense<0.000000e+00> : vector<2000x64xf32>
    %dot_general3A_22 = tpu.matmul %max3A_18, %get3A_21, %dot_general3A {dimension_numbers = #tpu.dot_dimension_numbers<[1], [0], [0], [1], [0, 0, 1, 1], [], []>, transpose_lhs_hint = false} : vector<2000x128xf32>, vector<128x64xf32>, vector<2000x64xf32> -> vector<2000x64xf32>
    %mul3A_23 = vector.broadcast %get3A_1 : vector<2000x1xf32> to vector<2000x64xf32>
    %mul3A_24 = arith.mulf %mul3A_23, %dot_general3A_22 : vector<2000x64xf32>
    %swap3A = arith.constant 0 : index
    %swap3A_25 = arith.constant 0 : index
    %swap3A_26 = vector.load %arg5[%swap3A, %swap3A_25] : memref<2000x64xf32, #tpu.memory_space<vmem>>, vector<2000x64xf32>
    tpu.vector_store %arg5[%swap3A, %swap3A_25], %mul3A_24 {strides = array<i32>} : memref<2000x64xf32, #tpu.memory_space<vmem>>, vector<2000x64xf32>,
    return
  }
  func.func @transform_0(%arg0: i32) -> (i32, i32, i32) {
    %c0_i32 = arith.constant 0 : i32
    %c0_i32_0 = arith.constant 0 : i32
    %c0_i32_1 = arith.constant 0 : i32
    return %c0_i32, %arg0, %c0_i32_0 : i32, i32, i32
  }
  func.func @transform_1(%arg0: i32) -> (i32, i32) {
    %c0_i32 = arith.constant 0 : i32
    %c0_i32_0 = arith.constant 0 : i32
    return %arg0, %c0_i32 : i32, i32
  }
  func.func @transform_2(%arg0: i32) -> (i32, i32) {
    %c0_i32 = arith.constant 0 : i32
    %c0_i32_0 = arith.constant 0 : i32
    return %arg0, %c0_i32 : i32, i32
  }
  func.func @transform_3(%arg0: i32) -> (i32, i32) {
    %c0_i32 = arith.constant 0 : i32
    %c0_i32_0 = arith.constant 0 : i32
    %c0_i32_1 = arith.constant 0 : i32
    return %c0_i32, %c0_i32_0 : i32, i32
  }
  func.func @transform_4(%arg0: i32) -> (i32, i32) {
    %c0_i32 = arith.constant 0 : i32
    %c0_i32_0 = arith.constant 0 : i32
    return %arg0, %c0_i32 : i32, i32
  }
}

module attributes {stable_mosaic.version = 14 : i64} {
  func.func @_tc_final_body(%arg0: i32, %arg1: memref<2x2000x64xf32, #tpu.memory_space<vmem>>, %arg2: memref<2000x64xf32, #tpu.memory_space<vmem>>, %arg3: memref<2000x1xf32, #tpu.memory_space<vmem>>, %arg4: memref<2000x64xf32, #tpu.memory_space<vmem>>) attributes {dimension_semantics = [#tpu.dimension_semantics<arbitrary>], iteration_bounds = array<i64: 5>, scalar_prefetch = 0 : i64, scratch_operands = 0 : i64, tpu.core_type = #tpu.core_type<tc>, window_params = [{transform_indices = @transform_0, window_bounds = array<i64: 2, 2000, 64>}, {transform_indices = @transform_1, window_bounds = array<i64: 2000, 64>}, {transform_indices = @transform_2, window_bounds = array<i64: 2000, 1>}, {transform_indices = @transform_3, window_bounds = array<i64: 2000, 64>}]} {
    %get3A = arith.constant 0 : index
    %get3A_0 = arith.constant 0 : index
    %get3A_1 = vector.load %arg3[%get3A, %get3A_0] : memref<2000x1xf32, #tpu.memory_space<vmem>>, vector<2000x1xf32>
    %get3A_2 = arith.constant 0 : index
    %get3A_3 = arith.constant 0 : index
    %get3A_4 = arith.constant 0 : index
    %get3A_5 = vector.load %arg1[%get3A_2, %get3A_3, %get3A_4] : memref<2x2000x64xf32, #tpu.memory_space<vmem>>, vector<1x2000x64xf32>
    %get3A_6 = vector.shape_cast %get3A_5 : vector<1x2000x64xf32> to vector<2000x64xf32>
    %get3A_7 = arith.constant 1 : index
    %get3A_8 = arith.constant 0 : index
    %get3A_9 = arith.constant 0 : index
    %get3A_10 = vector.load %arg1[%get3A_7, %get3A_8, %get3A_9] : memref<2x2000x64xf32, #tpu.memory_space<vmem>>, vector<1x2000x64xf32>
    %get3A_11 = vector.shape_cast %get3A_10 : vector<1x2000x64xf32> to vector<2000x64xf32>
    %add3A = arith.addf %get3A_6, %get3A_11 : vector<2000x64xf32>
    %get3A_12 = arith.constant 0 : index
    %get3A_13 = arith.constant 0 : index
    %get3A_14 = vector.load %arg2[%get3A_12, %get3A_13] : memref<2000x64xf32, #tpu.memory_space<vmem>>, vector<2000x64xf32>
    %add3A_15 = arith.addf %add3A, %get3A_14 : vector<2000x64xf32>
    %mul3A = vector.broadcast %get3A_1 : vector<2000x1xf32> to vector<2000x64xf32>
    %mul3A_16 = arith.mulf %mul3A, %add3A_15 : vector<2000x64xf32>
    %swap3A = arith.constant 0 : index
    %swap3A_17 = arith.constant 0 : index
    %swap3A_18 = vector.load %arg4[%swap3A, %swap3A_17] : memref<2000x64xf32, #tpu.memory_space<vmem>>, vector<2000x64xf32>
    tpu.vector_store %arg4[%swap3A, %swap3A_17], %mul3A_16 {strides = array<i32>} : memref<2000x64xf32, #tpu.memory_space<vmem>>, vector<2000x64xf32>,
    return
  }
  func.func @transform_0(%arg0: i32) -> (i32, i32, i32) {
    %c0_i32 = arith.constant 0 : i32
    %c0_i32_0 = arith.constant 0 : i32
    %c0_i32_1 = arith.constant 0 : i32
    return %c0_i32, %arg0, %c0_i32_0 : i32, i32, i32
  }
  func.func @transform_1(%arg0: i32) -> (i32, i32) {
    %c0_i32 = arith.constant 0 : i32
    %c0_i32_0 = arith.constant 0 : i32
    return %arg0, %c0_i32 : i32, i32
  }
  func.func @transform_2(%arg0: i32) -> (i32, i32) {
    %c0_i32 = arith.constant 0 : i32
    %c0_i32_0 = arith.constant 0 : i32
    return %arg0, %c0_i32 : i32, i32
  }
  func.func @transform_3(%arg0: i32) -> (i32, i32) {
    %c0_i32 = arith.constant 0 : i32
    %c0_i32_0 = arith.constant 0 : i32
    return %arg0, %c0_i32 : i32, i32
  }
}

</mosaic_0001>

<sc_bundles>
// kernel: kernel.11.cloned.1.call-start
scs
__scs_entry_jumppad:
0x0: {  	(pc) =	sbr.rel $0x88, $3  }
0x1: {  	(tag) =	ssettag $0x0;
	lr =	simm.s32 $0x1  }
0x2: {  	[smem:$0x3F9D] =	sst lr;
	_ =	strace $0xD0000000  }
0x3: {  	_ = 	snop  }
0x4: {  	_ = 	snop  }
0x5: {  	_ = 	snop  }
0x6: {  	_ = 	snop  }
0x7: {  	_ = 	snop  }
__scs_overlays_trampoline_lowered:
0x8: {  	[smem:$0x3FAC] =	sst s0  }
0x9: {  	[smem:$0x3FAD] =	sst s1  }
0xa: {  	[smem:$0x3FAE] =	sst s2  }
0xb: {  	[smem:$0x3FAF] =	sst s3  }
0xc: {  	[smem:$0x3FB0] =	sst s4  }
0xd: {  	[smem:$0x3FB1] =	sst s5  }
0xe: {  	[smem:$0x3FB2] =	sst s6  }
0xf: {  	[smem:$0x3FB3] =	sst s7  }
0x10: {  	[smem:$0x3FB4] =	sst s8  }
0x11: {  	[smem:$0x3FB5] =	sst s9;
	s0 =	simm.s32 @!p0 $0x0  }
0x12: {  	s1 =	sld [smem:$0x3F9B];
	s0 =	simm.s32 @p0 $0x1  }
0x13: {  	[smem:$0x3FB6] =	sst s0;
	s0 =	simm.s32 @!p1 $0x0  }
0x14: {  	s2 =	sld [smem:$0x3F9A];
	s0 =	simm.s32 @p1 $0x1  }
0x15: {  	[smem:$0x3FB7] =	sst s0;
	s0 =	simm.s32 @!p2 $0x0  }
0x16: {  	s3 =	sld [smem:$0x3FDB];
	s0 =	simm.s32 @p2 $0x1  }
0x17: {  	s4 =	simm.s32 $0x1BF5;
	[smem:$0x3FB9] =	sst s0  }
0x18: {  	s0 =	sld [smem:$0x3F9C];
	_ =	swait.ge [sflag:s4], $0x0  }
0x19: {  	s7 =	sld [smem:$0x3F9D]  }
0x1a: {  	s8 =	sadd.s32 $0xFFFFE003, lr  }
0x1b: {  	s9 =	sadd.s32 $0xFFFFFEF7, lr;
	s5 =	simm.s32 $0xFFFFFFFF;
	p2 =	slt.u32 s8, $0xFFFFF086  }
0x1c: {  	p1 =	slt.u32 s9, $0xF7A;
	s5 =	simm.s32 @!p2 $0x0  }
0x1d: {  	s5 =	simm.s32 @p1 $0x1;
	p0 =	seq.s32 s7, s2  }
0x1e: {  	s7 =	smul.u32 @!p0 $0xF7A, s2;
	p2 =	seq.s32 @!p0 s5, $0x0  }
0x1f: {  	s9 =	smul.u32 $0xF7A, s1;
	s8 =	simm.s32 @!p0 $0x1BF5;
	p2 =	por !p2, p0  }
0x20: {  	[sflag:s8] =	ssyncset.s32 @!p0 $0xFFFFF086;
	s6 =	sadd.s32 @!p0 s3, s7;
	s7 =	simm.s32 @!p0 $0x108  }
0x21: {  	s3 =	sadd.s32 s3, s9;
	s6 =	sadd.s32 @!p0 $0x88, s6;
	s7 =	simm.s32 @p2 $0x1082  }
0x22: {  	[simem:s7], [sflag:s8] =	dma.local @!p0 [hbm:s6], $0xF7A  }
0x23: {  	s9 =	sor.u32 $0xD0000000, s2;
	s6 =	simm.s32 $0x108;
	_ =	swait.ge @!p0 [sflag:s8], $0x0  }
0x24: {  	s3 =	sadd.s32 $0x88, s3;
	s6 =	simm.s32 @!p1 $0x1082;
	[sflag:s4] =	ssyncset.s32 $0xFFFFF086  }
0x25: {  	[simem:s6], [sflag:s4] =	dma.local [hbm:s3], $0xF7A  }
0x26: {  	[smem:$0x3F9D] =	sst s1;
	(tag) =	ssettag s2;
	_ =	strace s9  }
0x27: {  	s1 =	sld [smem:$0x3FAD]  }
0x28: {  	s2 =	sld [smem:$0x3FAE]  }
0x29: {  	s4 =	sld [smem:$0x3FB0]  }
0x2a: {  	p0 =	seq.s32 s5, $0x0;
	s5 =	sld [smem:$0x3FB1]  }
0x2b: {  	s6 =	sld [smem:$0x3FB2]  }
0x2c: {  	s7 =	sld [smem:$0x3FB3]  }
0x2d: {  	s3 =	simm.s32 $0x108;
	s8 =	sld [smem:$0x3FB4]  }
0x2e: {  	s3 =	simm.s32 @!p0 $0x1082;
	s9 =	sld [smem:$0x3FB5]  }
0x2f: {  	lr =	sadd.s32 s0, s3;
	s0 =	sld [smem:$0x3FAC]  }
0x30: {  	s3 =	sld [smem:$0x3FAF]  }
0x31: {  	[smem:$0x3FB8] =	sst s10  }
0x32: {  	s10 =	sld [smem:$0x3FB6];
	_ =	sdelay $0x3  }
0x33: {  	p0 =	seq.s32 s10, $0x1;
	s10 =	sld [smem:$0x3FB8];
	_ =	sdelay $0x3  }
0x34: {  	[smem:$0x3FB8] =	sst s10  }
0x35: {  	s10 =	sld [smem:$0x3FB7];
	_ =	sdelay $0x3  }
0x36: {  	p1 =	seq.s32 s10, $0x1;
	s10 =	sld [smem:$0x3FB8];
	_ =	sdelay $0x3  }
0x37: {  	[smem:$0x3FB8] =	sst s10  }
0x38: {  	s10 =	sld [smem:$0x3FB9]  }
0x39: {  	_ = 	snop;
	(pc) =	sbr.ind lr, $3  }
0x3a: {  	_ = 	snop  }
0x3b: {  	_ = 	snop  }
0x3c: {  	p2 =	seq.s32 s10, $0x1;
	s10 =	sld [smem:$0x3FB8]  }
0x3d: {  	_ =	shalt  }
0x3e: {  	_ =	shalt  }
0x3f: {  	_ =	shalt  }
0x40: {  	_ =	shalt  }
0x41: {  	_ =	shalt  }
0x42: {  	_ =	shalt  }
0x43: {  	_ =	shalt  }
0x44: {  	_ =	shalt  }
0x45: {  	_ =	shalt  }
0x46: {  	_ =	shalt  }
0x47: {  	_ =	shalt  }
0x48: {  	_ =	shalt  }
0x49: {  	_ =	shalt  }
0x4a: {  	_ =	shalt  }
0x4b: {  	_ =	shalt  }
0x4c: {  	_ =	shalt  }
0x4d: {  	_ =	shalt  }
0x4e: {  	_ =	shalt  }
0x4f: {  	_ =	shalt  }
0x50: {  	_ =	shalt  }
0x51: {  	_ =	shalt  }
0x52: {  	_ =	shalt  }
0x53: {  	_ =	shalt  }
0x54: {  	_ =	shalt  }
0x55: {  	_ =	shalt  }
0x56: {  	_ =	shalt  }
0x57: {  	_ =	shalt  }
0x58: {  	_ =	shalt  }
0x59: {  	_ =	shalt  }
0x5a: {  	_ =	shalt  }
0x5b: {  	_ =	shalt  }
0x5c: {  	_ =	shalt  }
0x5d: {  	_ =	shalt  }
0x5e: {  	_ =	shalt  }
0x5f: {  	_ =	shalt  }
0x60: {  	_ =	shalt  }
0x61: {  	_ =	shalt  }
0x62: {  	_ =	shalt  }
0x63: {  	_ =	shalt  }
0x64: {  	_ =	shalt  }
0x65: {  	_ =	shalt  }
0x66: {  	_ =	shalt  }
0x67: {  	_ =	shalt  }
0x68: {  	_ =	shalt  }
0x69: {  	_ =	shalt  }
0x6a: {  	_ =	shalt  }
0x6b: {  	_ =	shalt  }
0x6c: {  	_ =	shalt  }
0x6d: {  	_ =	shalt  }
0x6e: {  	_ =	shalt  }
0x6f: {  	_ =	shalt  }
0x70: {  	_ =	shalt  }
0x71: {  	_ =	shalt  }
0x72: {  	_ =	shalt  }
0x73: {  	_ =	shalt  }
0x74: {  	_ =	shalt  }
0x75: {  	_ =	shalt  }
0x76: {  	_ =	shalt  }
0x77: {  	_ =	shalt  }
0x78: {  	_ =	shalt  }
0x79: {  	_ =	shalt  }
0x7a: {  	_ =	shalt  }
0x7b: {  	_ =	shalt  }
0x7c: {  	_ =	shalt  }
0x7d: {  	_ =	shalt  }
0x7e: {  	_ =	shalt  }
0x7f: {  	_ =	shalt  }
0x80: {  	_ =	shalt  }
0x81: {  	_ =	shalt  }
0x82: {  	_ =	shalt  }
0x83: {  	_ =	shalt  }
0x84: {  	_ =	shalt  }
0x85: {  	_ =	shalt  }
0x86: {  	_ =	shalt  }
0x87: {  	_ =	shalt  }
.Lfunc_end0:
.L_simem_size_0:
called_computation.1_lowered:
.L_overlay_start_0:
0x88: {  	s2 =	sld [smem:$0x3FD9]  }
0x89: {  	s3 =	sld [smem:$0x3FFE];
	_ =	sdelay $0x1  }
0x8a: {  	s1 =	srdreg.scid  }
0x8b: {  	s0 =	sand.u32 $0x1, s1  }
0x8c: {  	s16 =	sshll.u32 s0, $0xA;
	s2 =	sadd.s32 s3, s2  }
0x8d: {  	s2 =	sadd.s32 s2, s16  }
0x8e: {  	[smem:$0x3FC4] =	sst s2  }
0x8f: {  	_ = 	snop  }
0x90: {  	(tm) =	ssettm $0x1  }
0x91: {  	s17 =	sld [smem:$0x3FFB];
	_ =	sdelay $0x3  }
0x92: {  	_ =	strace s17  }
0x93: {  	s2 =	sld [smem:$0x3FFC];
	_ =	sdelay $0x3  }
0x94: {  	_ =	strace s2  }
0x95: {  	s2 =	sld [smem:$0x3FFD];
	_ =	sdelay $0x3  }
0x96: {  	_ =	strace s2  }
0x97: {  	_ =	strace $0x8FFFFFFF  }
0x98: {  	s18 =	sld [smem:$0x3FDB];
	_ =	sdelay $0x1  }
0x99: {  	s19 =	simm.s32 $_scs_section_size  }
0x9a: {  	s4 =	simm.s32 $_size__tile_overlayer_lowered;
	s5 =	simm.s32 $_tile_overlayer_lowered  }
0x9b: {  	s22 =	simm.s32 $0x1BFF;
	s21 =	sshll.u32 s5, $0x1;
	s2 =	sadd.s32 s19, s18  }
0x9c: {  	s6 =	simm.s32 $0x0;
	s20 =	sshll.u32 s4, $0x1;
	s4 =	sadd.s32 s21, s2  }
0x9d: {  	[timem:s6], [sflag:s22] =	dma.local [hbm:s4], s20  }
0x9e: {  	_ =	swait.ge [sflag:s22], s20  }
0x9f: {  	s3 =	ssub.s32 $0x0, s20;
	[sflag:s22] =	ssyncset.done $0x0  }
0xa0: {  	[sflag:s22] =	ssyncadd.s32 s3;
	_ =	sdelay $0x1  }
0xa1: {  	s23 =	simm.s32 $0x1B8B  }
0xa2: {  	_ =	swait.ge [sflag:s23], $0x1  }
0xa3: {  	[sflag:s23] =	ssyncset.done $0x0  }
0xa4: {  	s25 =	simm.s32 $0x1B8E;
	s24 =	sld [smem:$0x3FFE];
	[sflag:s23] =	ssyncadd.s32 $0xFFFFFFFF  }
0xa5: {  	s26 =	simm.s32 $execute0_lowered;
	[smem:$0x3FD2] =	sst s25  }
0xa6: {  	s4 =	sshll.u32 s26, $0x1;
	_ =	strace $0x80000049;
	[dreg:$0x1] =	wrdreg $0xFFFFFFFF  }
0xa7: {  	s28 =	simm.s32 $_size_execute0_lowered;
	s2 =	sadd.s32 s2, s4;
	[dreg:$0x0] =	wrdreg $0x0  }
0xa8: {  	s4 =	sshll.u32 s28, $0x1;
	[dreg:$0x2] =	wrdreg s2  }
0xa9: {  	[dreg:$0x3] =	wrdreg s4  }
0xaa: {  	[dreg:$0x4] =	wrdreg $0xC0  }
0xab: {  	_ =	task [dreg:s6], $0x5FFFF  }
0xac: {  	[dreg:$0x1] =	wrdreg $0xFFFFFFFF  }
0xad: {  	[dreg:$0x0] =	wrdreg $0x60  }
0xae: {  	[dreg:$0x2] =	wrdreg s24  }
0xaf: {  	[dreg:$0x3] =	wrdreg $0xAF800  }
0xb0: {  	[dreg:$0x4] =	wrdreg $0x9  }
0xb1: {  	_ =	task.clear_ibuf [dreg:s6], $0x5FFFF;
	_ =	strace $0x90000049  }
0xb2: {  	s29 =	simm.s32 $0x9;
	_ =	strace $0x8000004B  }
0xb3: {  	_ =	swait.ge [sflag:s29], $0x1  }
0xb4: {  	[sflag:s29] =	ssyncadd.s32 $0xFFFFFFFF  }
0xb5: {  	_ =	strace $0x9000004B  }
0xb6: {  	_ =	sfence  }
0xb7: {  	s30 =	sld [smem:$0x0];
	_ =	sdelay $0x2  }
0xb8: {  	s31 =	sshll.u32 s1, $0xD;
	s1 =	sshrl.u32 s1, $0x2  }
0xb9: {  	s3 =	sand.u32 $0x4000, s31;
	s1 =	sadd.s32 s1, s30  }
0xba: {  	s0 =	sor.u32 s3, s0;
	s1 =	sshll.u32 s1, $0x11  }
0xbb: {  	s0 =	sor.u32 s1, s0  }
0xbc: {  	s0 =	sadd.s32 $0x8F2B, s0  }
0xbd: {  	[sflag:s0] =	ssyncadd.remote.s32 $0x1  }
0xbe: {  	_ =	sfence.sel $0xFFFF  }
0xbf: {  	[dreg:$0x0] =	wrdreg $0xFFFFFFFF;
	(pc) =	sbr.abs _section_cstart, $3  }
0xc0: {  	[dreg:$0x1] =	wrdreg $0xFFFFFFFF  }
0xc1: {  	_ =	task.clear_ibuf [dreg:s6], $0x2FFFF;
	_ =	strace $0x9FFFFFFF  }
0xc2: {  	(tm) =	ssettm $0x7FFFFFFF  }
0xc3: {  	_ =	shalt  }
tec
execute0_lowered:
.L_overlay_start_1:
0x0: {  	(tag) =	ssettag $0x1  }
0x1: {  	s1 =	srdreg.scid;
	s6 =	rddreg [dreg:$0x0]  }
0x2: {  	s0 =	stileid.u32;
	s2 =	rddreg [dreg:$0x1]  }
0x3: {  	s3 =	simm.s32 $0x0;
	s14 =	simm.s32 $0x60;
	s15 =	simm.s32 $0x4F80  }
0x4: {  	s16 =	simm.s32 $0x7F80;
	s17 =	simm.s32 $0x1;
	s18 =	simm.s32 $0x4EC0  }
0x5: {  	s19 =	simm.s32 $0x2760;
	s20 =	simm.s32 $0x4F20;
	s21 =	simm.s32 $0x0  }
0x6: {  	s5 =	sand.u32 $0x1, s1;
	s30 =	sshll.u32 s0, $0x1;
	s7 =	smul.u32 $0x14000, s0  }
0x7: {  	[smem:$0x7FF] =	sst s3;
	s1 =	sor.u32 s5, s30;
	s8 =	smul.u32 $0x140000, s5  }
0x8: {  	s31 =	sshll.u32 s0, $0x6;
	s5 =	ssub.s32 $0x2, s5;
	s4 =	smul.u32 $0x4F8, s1  }
0x9: {  	s1 =	rddreg [dreg:$0x2];
	_ =	strace $0x8000004A;
	s10 =	sshrl.u32 s7, $0x3  }
0xa: {  	s11 =	sshrl.u32 s5, $0x1;
	s13 =	sadd.s32 s7, s2;
	s8 =	sadd.s32 s7, s8  }
0xb: {  	s10 =	sadd.s32 s10, s6;
	s11 =	ssub.s32 s5, s11;
	s9 =	sadd.s32 s4, s6  }
0xc: {  	s4 =	sadd.s32 $0x2A400, s6;
	s8 =	sshrl.u32 s8, $0x3;
	s5 =	sadd.s32 $0x51600, s10  }
0xd: {  	s10 =	smax.u32 s11, $0x1;
	s11 =	sshrl.u32 s13, $0x3;
	s13 =	simm.s32 $0x27C0  }
0xe: {  	s12 =	sadd.s32 s8, s6;
	s6 =	sor.u32 $0x1C02, s31;
	s7 =	sadd.s32 $0x20400, s9  }
0xf: {  	s8 =	sadd.s32 $0x2000, s9;
	s9 =	sadd.s32 $0x79600, s12;
	s12 =	simm.s32 $0x2  }
.LBB2_1:
0x10: {  	[spmem:s11], [sflag:s6] =	dma.local [hbm:s5], $0x2800  }
0x11: {  	_ =	swait.ge [sflag:s12], $0x2800  }
0x12: {  	[sflag:s12] =	ssyncset.done $0x0  }
0x13: {  	[sflag:s12] =	ssyncadd.s32 $0xFFFFD800  }
0x14: {  	[tilespmem:s3], [sflag:$0x2] =	stream.linear.gather [hbm4b:s7+s3], $0x27C0, $0x38;
	[tilespmem:$0x1EF80] =	vst v63  }
0x15: {  	_ =	swait.ge [sflag:s12], $0x27C0  }
0x16: {  	[sflag:s12] =	ssyncset.done $0x0  }
0x17: {  	[sflag:s12] =	ssyncadd.s32 $0xFFFFD840  }
0x18: {  	[tilespmem:s13], [sflag:$0x2] =	stream.linear.gather [hbm4b:s8+s3], $0x27C0, $0x38;
	[tilespmem:$0x1EF80] =	vst v63  }
0x19: {  	_ =	swait.ge [sflag:s12], $0x27C0  }
0x1a: {  	[sflag:s12] =	ssyncset.done $0x0  }
0x1b: {  	[sflag:s12] =	ssyncadd.s32 $0xFFFFD840  }
0x1c: {  	[bflag:$0x0] =	sbarrier.arrive $0xFFFF  }
0x1d: {  	[tilespmem:s15], [sflag:$0x2] =	stream.indirect.gather [hbm4b:s4+s14], $0x80, s3, s14, $0xb8;
	[tilespmem:$0x1EF80] =	vst v63  }
0x1e: {  	_ =	swait.ge [sflag:s12], $0x3000  }
0x1f: {  	[sflag:s12] =	ssyncset.done $0x0  }
0x20: {  	s22 =	simm.s32 $0x27C0;
	[sflag:s12] =	ssyncadd.s32 $0xFFFFD000  }
0x21: {  	[spmem:s2] =	stream.indirect.scatter.add.f32 [tilespmem:s15], [sflag:$0x1], $0x80, s22, s14, $0xb8;
	[tilespmem:$0x1EF80] =	vst v63  }
0x22: {  	s29 =	simm.s32 $0x60  }
0x23: {  	[tilespmem:s16], [sflag:$0x2] =	stream.indirect.gather [hbm4b:s4+s14], $0x80, s29, s14, $0xb8;
	[tilespmem:$0x1EF80] =	vst v63  }
0x24: {  	_ =	swait.ge [sflag:s12], $0x3000  }
0x25: {  	[sflag:s12] =	ssyncset.done $0x0  }
0x26: {  	[sflag:s12] =	ssyncadd.s32 $0xFFFFD000  }
0x27: {  	_ =	swait.ge [sflag:s17], $0x3000  }
0x28: {  	[sflag:s17] =	ssyncset.done $0x0  }
0x29: {  	s30 =	simm.s32 $0x2820;
	[sflag:s17] =	ssyncadd.s32 $0xFFFFD000  }
0x2a: {  	[spmem:s2] =	stream.indirect.scatter.add.f32 [tilespmem:s16], [sflag:$0x1], $0x80, s30, s14, $0xb8;
	[tilespmem:$0x1EF80] =	vst v63  }
0x2b: {  	s31 =	simm.s32 $0xC0  }
0x2c: {  	[tilespmem:s15], [sflag:$0x2] =	stream.indirect.gather [hbm4b:s4+s14], $0x80, s31, s14, $0xb8;
	[tilespmem:$0x1EF80] =	vst v63  }
0x2d: {  	_ =	swait.ge [sflag:s12], $0x3000  }
0x2e: {  	[sflag:s12] =	ssyncset.done $0x0  }
0x2f: {  	[sflag:s12] =	ssyncadd.s32 $0xFFFFD000  }
0x30: {  	_ =	swait.ge [sflag:s17], $0x3000  }
0x31: {  	s23 =	simm.s32 $0x600;
	s22 =	simm.s32 $0xC0;
	[sflag:s17] =	ssyncset.done $0x0  }
.LBB2_2:
0x32: {  	s24 =	sadd.s32 $0x27C0, s22  }
0x33: {  	[sflag:s17] =	ssyncadd.s32 $0xFFFFD000;
	s25 =	smov.u32 s23;
	s26 =	sadd.s32 $0x300, s23  }
0x34: {  	[spmem:s2] =	stream.indirect.scatter.add.f32 [tilespmem:s15], [sflag:$0x1], $0x80, s24, s14, $0xb8;
	[tilespmem:$0x1EF80] =	vst v63  }
0x35: {  	p0 =	sne.s32 s23, $0x9900;
	s23 =	sadd.s32 $0x60, s22  }
0x36: {  	[tilespmem:s16], [sflag:$0x2] =	stream.indirect.gather [hbm4b:s4+s14], $0x80, s23, s14, $0xb8;
	[tilespmem:$0x1EF80] =	vst v63  }
0x37: {  	_ =	swait.ge [sflag:s12], $0x3000  }
0x38: {  	[sflag:s12] =	ssyncset.done $0x0  }
0x39: {  	[sflag:s12] =	ssyncadd.s32 $0xFFFFD000  }
0x3a: {  	_ =	swait.ge [sflag:s17], $0x3000  }
0x3b: {  	[sflag:s17] =	ssyncset.done $0x0  }
0x3c: {  	s23 =	sadd.s32 $0x2820, s22;
	[sflag:s17] =	ssyncadd.s32 $0xFFFFD000  }
0x3d: {  	[spmem:s2] =	stream.indirect.scatter.add.f32 [tilespmem:s16], [sflag:$0x1], $0x80, s23, s14, $0xb8;
	[tilespmem:$0x1EF80] =	vst v63  }
0x3e: {  	s22 =	sadd.s32 $0xC0, s22  }
0x3f: {  	[tilespmem:s15], [sflag:$0x2] =	stream.indirect.gather [hbm4b:s4+s14], $0x80, s22, s14, $0xb8;
	[tilespmem:$0x1EF80] =	vst v63  }
.Ltmp0:
0x40: {  	_ =	swait.ge [sflag:s12], $0x3000;
	(pc) =	sbr.rel @p0 .LBB2_2-.Ltmp0, $4  }
0x41: {  	[sflag:s12] =	ssyncset.done $0x0  }
0x42: {  	[sflag:s12] =	ssyncadd.s32 $0xFFFFD000  }
0x43: {  	_ =	swait.ge [sflag:s17], $0x3000  }
0x44: {  	s23 =	smov.u32 s26;
	s22 =	sshra.s32 s25, $0x2;
	[sflag:s17] =	ssyncset.done $0x0  }
0x45: {  	s23 =	sadd.s32 $0x27C0, s22;
	[sflag:s17] =	ssyncadd.s32 $0xFFFFD000  }
0x46: {  	[spmem:s2] =	stream.indirect.scatter.add.f32 [tilespmem:s15], [sflag:$0x1], $0x80, s23, s14, $0xb8;
	[tilespmem:$0x1EF80] =	vst v63  }
0x47: {  	s29 =	sadd.s32 $0x60, s22  }
0x48: {  	[tilespmem:s16], [sflag:$0x2] =	stream.indirect.gather [hbm4b:s4+s14], $0x80, s29, s14, $0xb8;
	[tilespmem:$0x1EF80] =	vst v63  }
0x49: {  	_ =	swait.ge [sflag:s12], $0x3000  }
0x4a: {  	[sflag:s12] =	ssyncset.done $0x0  }
0x4b: {  	[sflag:s12] =	ssyncadd.s32 $0xFFFFD000  }
0x4c: {  	_ =	swait.ge [sflag:s17], $0x3000  }
0x4d: {  	[sflag:s17] =	ssyncset.done $0x0  }
0x4e: {  	s30 =	sadd.s32 $0x2820, s22;
	[sflag:s17] =	ssyncadd.s32 $0xFFFFD000  }
0x4f: {  	[spmem:s2] =	stream.indirect.scatter.add.f32 [tilespmem:s16], [sflag:$0x1], $0x80, s30, s14, $0xb8;
	[tilespmem:$0x1EF80] =	vst v63  }
0x50: {  	s31 =	sadd.s32 $0xC0, s22  }
0x51: {  	[tilespmem:s15], [sflag:$0x2] =	stream.indirect.gather [hbm4b:s4+s14], $0x80, s31, s14, $0xb8;
	[tilespmem:$0x1EF80] =	vst v63  }
0x52: {  	_ =	swait.ge [sflag:s12], $0x3000  }
0x53: {  	[sflag:s12] =	ssyncset.done $0x0  }
0x54: {  	[sflag:s12] =	ssyncadd.s32 $0xFFFFD000  }
0x55: {  	_ =	swait.ge [sflag:s17], $0x3000  }
0x56: {  	[sflag:s17] =	ssyncset.done $0x0  }
0x57: {  	[sflag:s17] =	ssyncadd.s32 $0xFFFFD000  }
0x58: {  	[spmem:s2] =	stream.indirect.scatter.add.f32 [tilespmem:s15], [sflag:$0x1], $0x80, s18, s14, $0xb8;
	[tilespmem:$0x1EF80] =	vst v63  }
0x59: {  	_ = 	snop  }
0x5a: {  	[tilespmem:s16], [sflag:$0x2] =	stream.indirect.gather [hbm4b:s4+s14], $0x80, s19, s14, $0xb8;
	[tilespmem:$0x1EF80] =	vst v63  }
0x5b: {  	_ =	swait.ge [sflag:s12], $0x3000  }
0x5c: {  	[sflag:s12] =	ssyncset.done $0x0  }
0x5d: {  	[sflag:s12] =	ssyncadd.s32 $0xFFFFD000  }
0x5e: {  	_ =	swait.ge [sflag:s17], $0x3000  }
0x5f: {  	[sflag:s17] =	ssyncset.done $0x0  }
0x60: {  	[sflag:s17] =	ssyncadd.s32 $0xFFFFD000  }
0x61: {  	[spmem:s2] =	stream.indirect.scatter.add.f32 [tilespmem:s16], [sflag:$0x1], $0x80, s20, s14, $0xb8;
	[tilespmem:$0x1EF80] =	vst v63  }
0x62: {  	_ =	swait.ge [sflag:s17], $0x3000  }
0x63: {  	s21 =	sadd.s32 $0x1, s21;
	[sflag:s17] =	ssyncset.done $0x0  }
0x64: {  	p0 =	sne.s32 s21, s10;
	[sflag:s17] =	ssyncadd.s32 $0xFFFFD000  }
.Ltmp1:
0x65: {  	[bflag:$0x0] =	sbarrier.arrive $0xFFFF;
	(pc) =	sbr.rel @p0 .LBB2_1-.Ltmp1, $4  }
0x66: {  	[hbm:s9], [sflag:s6] =	dma.local [spmem:s11], $0x2800  }
0x67: {  	_ =	swait.ge [sflag:s12], $0x2800  }
0x68: {  	[sflag:s12] =	ssyncset.done $0x0  }
0x69: {  	[sflag:s12] =	ssyncadd.s32 $0xFFFFD800  }
0x6a: {  	_ =	sfence.sel $0x180000  }
0x6b: {  	[bflag:$0x0] =	sbarrier.arrive $0xFFFF  }
0x6c: {  	p0 =	sne.s32 s0, $0x0;
	_ =	strace $0x9000004A  }
0x6d: {  	s0 =	sadd.s32 @!p0 $0x100000, s1;
	[bflag:$0x2] =	sbarrier.arrive $0xFFFF  }
0x6e: {  	[sflag:s0] =	ssyncadd.tile.s32 @!p0 $0x1;
	_ =	shalt  }
.Lfunc_end2:
_tile_overlayer_lowered:
.L_overlay_start_2:
0x6f: {  	(tag) =	ssettag $0x2  }
0x70: {  	s0 =	rddreg [dreg:$0x0];
	s2 =	stileid.u32  }
0x71: {  	s1 =	rddreg [dreg:$0x1];
	p0 =	sne.s32 s2, $0x0  }
0x72: {  	s3 =	rddreg [dreg:$0x2];
	[bflag:$0x3] =	sbarrier.arrive $0xFFFF;
	s2 =	simm.s32 @!p0 $0x1C02  }
0x73: {  	[timem:s3], [sflag:s2] =	dma.local @!p0 [hbm:s0], s1  }
0x74: {  	s0 =	simm.s32 @!p0 $0x2  }
0x75: {  	_ =	swait.ge @!p0 [sflag:s0], s1  }
0x76: {  	s1 =	ssub.s32 @!p0 $0x0, s1;
	[sflag:s0] =	ssyncset.done @!p0 $0x0  }
0x77: {  	[sflag:s0] =	ssyncadd.s32 @!p0 s1  }
0x78: {  	[bflag:$0x3] =	sbarrier.arrive $0xFFFF  }
0x79: {  	_ =	shalt  }

// kernel: kernel.14.cloned.1.call-start
scs
__scs_entry_jumppad:
0x0: {  	(pc) =	sbr.rel $0x88, $3  }
0x1: {  	(tag) =	ssettag $0x0;
	lr =	simm.s32 $0x1  }
0x2: {  	[smem:$0x3F9D] =	sst lr;
	_ =	strace $0xD0000000  }
0x3: {  	_ = 	snop  }
0x4: {  	_ = 	snop  }
0x5: {  	_ = 	snop  }
0x6: {  	_ = 	snop  }
0x7: {  	_ = 	snop  }
__scs_overlays_trampoline_lowered:
0x8: {  	[smem:$0x3FAC] =	sst s0  }
0x9: {  	[smem:$0x3FAD] =	sst s1  }
0xa: {  	[smem:$0x3FAE] =	sst s2  }
0xb: {  	[smem:$0x3FAF] =	sst s3  }
0xc: {  	[smem:$0x3FB0] =	sst s4  }
0xd: {  	[smem:$0x3FB1] =	sst s5  }
0xe: {  	[smem:$0x3FB2] =	sst s6  }
0xf: {  	[smem:$0x3FB3] =	sst s7  }
0x10: {  	[smem:$0x3FB4] =	sst s8  }
0x11: {  	[smem:$0x3FB5] =	sst s9;
	s0 =	simm.s32 @!p0 $0x0  }
0x12: {  	s1 =	sld [smem:$0x3F9B];
	s0 =	simm.s32 @p0 $0x1  }
0x13: {  	[smem:$0x3FB6] =	sst s0;
	s0 =	simm.s32 @!p1 $0x0  }
0x14: {  	s2 =	sld [smem:$0x3F9A];
	s0 =	simm.s32 @p1 $0x1  }
0x15: {  	[smem:$0x3FB7] =	sst s0;
	s0 =	simm.s32 @!p2 $0x0  }
0x16: {  	s3 =	sld [smem:$0x3FDB];
	s0 =	simm.s32 @p2 $0x1  }
0x17: {  	s4 =	simm.s32 $0x1BF5;
	[smem:$0x3FB9] =	sst s0  }
0x18: {  	s0 =	sld [smem:$0x3F9C];
	_ =	swait.ge [sflag:s4], $0x0  }
0x19: {  	s7 =	sld [smem:$0x3F9D]  }
0x1a: {  	s8 =	sadd.s32 $0xFFFFE003, lr  }
0x1b: {  	s9 =	sadd.s32 $0xFFFFFEF7, lr;
	s5 =	simm.s32 $0xFFFFFFFF;
	p2 =	slt.u32 s8, $0xFFFFF086  }
0x1c: {  	p1 =	slt.u32 s9, $0xF7A;
	s5 =	simm.s32 @!p2 $0x0  }
0x1d: {  	s5 =	simm.s32 @p1 $0x1;
	p0 =	seq.s32 s7, s2  }
0x1e: {  	s7 =	smul.u32 @!p0 $0xF7A, s2;
	p2 =	seq.s32 @!p0 s5, $0x0  }
0x1f: {  	s9 =	smul.u32 $0xF7A, s1;
	s8 =	simm.s32 @!p0 $0x1BF5;
	p2 =	por !p2, p0  }
0x20: {  	[sflag:s8] =	ssyncset.s32 @!p0 $0xFFFFF086;
	s6 =	sadd.s32 @!p0 s3, s7;
	s7 =	simm.s32 @!p0 $0x108  }
0x21: {  	s3 =	sadd.s32 s3, s9;
	s6 =	sadd.s32 @!p0 $0x88, s6;
	s7 =	simm.s32 @p2 $0x1082  }
0x22: {  	[simem:s7], [sflag:s8] =	dma.local @!p0 [hbm:s6], $0xF7A  }
0x23: {  	s9 =	sor.u32 $0xD0000000, s2;
	s6 =	simm.s32 $0x108;
	_ =	swait.ge @!p0 [sflag:s8], $0x0  }
0x24: {  	s3 =	sadd.s32 $0x88, s3;
	s6 =	simm.s32 @!p1 $0x1082;
	[sflag:s4] =	ssyncset.s32 $0xFFFFF086  }
0x25: {  	[simem:s6], [sflag:s4] =	dma.local [hbm:s3], $0xF7A  }
0x26: {  	[smem:$0x3F9D] =	sst s1;
	(tag) =	ssettag s2;
	_ =	strace s9  }
0x27: {  	s1 =	sld [smem:$0x3FAD]  }
0x28: {  	s2 =	sld [smem:$0x3FAE]  }
0x29: {  	s4 =	sld [smem:$0x3FB0]  }
0x2a: {  	p0 =	seq.s32 s5, $0x0;
	s5 =	sld [smem:$0x3FB1]  }
0x2b: {  	s6 =	sld [smem:$0x3FB2]  }
0x2c: {  	s7 =	sld [smem:$0x3FB3]  }
0x2d: {  	s3 =	simm.s32 $0x108;
	s8 =	sld [smem:$0x3FB4]  }
0x2e: {  	s3 =	simm.s32 @!p0 $0x1082;
	s9 =	sld [smem:$0x3FB5]  }
0x2f: {  	lr =	sadd.s32 s0, s3;
	s0 =	sld [smem:$0x3FAC]  }
0x30: {  	s3 =	sld [smem:$0x3FAF]  }
0x31: {  	[smem:$0x3FB8] =	sst s10  }
0x32: {  	s10 =	sld [smem:$0x3FB6];
	_ =	sdelay $0x3  }
0x33: {  	p0 =	seq.s32 s10, $0x1;
	s10 =	sld [smem:$0x3FB8];
	_ =	sdelay $0x3  }
0x34: {  	[smem:$0x3FB8] =	sst s10  }
0x35: {  	s10 =	sld [smem:$0x3FB7];
	_ =	sdelay $0x3  }
0x36: {  	p1 =	seq.s32 s10, $0x1;
	s10 =	sld [smem:$0x3FB8];
	_ =	sdelay $0x3  }
0x37: {  	[smem:$0x3FB8] =	sst s10  }
0x38: {  	s10 =	sld [smem:$0x3FB9]  }
0x39: {  	_ = 	snop;
	(pc) =	sbr.ind lr, $3  }
0x3a: {  	_ = 	snop  }
0x3b: {  	_ = 	snop  }
0x3c: {  	p2 =	seq.s32 s10, $0x1;
	s10 =	sld [smem:$0x3FB8]  }
0x3d: {  	_ =	shalt  }
0x3e: {  	_ =	shalt  }
0x3f: {  	_ =	shalt  }
0x40: {  	_ =	shalt  }
0x41: {  	_ =	shalt  }
0x42: {  	_ =	shalt  }
0x43: {  	_ =	shalt  }
0x44: {  	_ =	shalt  }
0x45: {  	_ =	shalt  }
0x46: {  	_ =	shalt  }
0x47: {  	_ =	shalt  }
0x48: {  	_ =	shalt  }
0x49: {  	_ =	shalt  }
0x4a: {  	_ =	shalt  }
0x4b: {  	_ =	shalt  }
0x4c: {  	_ =	shalt  }
0x4d: {  	_ =	shalt  }
0x4e: {  	_ =	shalt  }
0x4f: {  	_ =	shalt  }
0x50: {  	_ =	shalt  }
0x51: {  	_ =	shalt  }
0x52: {  	_ =	shalt  }
0x53: {  	_ =	shalt  }
0x54: {  	_ =	shalt  }
0x55: {  	_ =	shalt  }
0x56: {  	_ =	shalt  }
0x57: {  	_ =	shalt  }
0x58: {  	_ =	shalt  }
0x59: {  	_ =	shalt  }
0x5a: {  	_ =	shalt  }
0x5b: {  	_ =	shalt  }
0x5c: {  	_ =	shalt  }
0x5d: {  	_ =	shalt  }
0x5e: {  	_ =	shalt  }
0x5f: {  	_ =	shalt  }
0x60: {  	_ =	shalt  }
0x61: {  	_ =	shalt  }
0x62: {  	_ =	shalt  }
0x63: {  	_ =	shalt  }
0x64: {  	_ =	shalt  }
0x65: {  	_ =	shalt  }
0x66: {  	_ =	shalt  }
0x67: {  	_ =	shalt  }
0x68: {  	_ =	shalt  }
0x69: {  	_ =	shalt  }
0x6a: {  	_ =	shalt  }
0x6b: {  	_ =	shalt  }
0x6c: {  	_ =	shalt  }
0x6d: {  	_ =	shalt  }
0x6e: {  	_ =	shalt  }
0x6f: {  	_ =	shalt  }
0x70: {  	_ =	shalt  }
0x71: {  	_ =	shalt  }
0x72: {  	_ =	shalt  }
0x73: {  	_ =	shalt  }
0x74: {  	_ =	shalt  }
0x75: {  	_ =	shalt  }
0x76: {  	_ =	shalt  }
0x77: {  	_ =	shalt  }
0x78: {  	_ =	shalt  }
0x79: {  	_ =	shalt  }
0x7a: {  	_ =	shalt  }
0x7b: {  	_ =	shalt  }
0x7c: {  	_ =	shalt  }
0x7d: {  	_ =	shalt  }
0x7e: {  	_ =	shalt  }
0x7f: {  	_ =	shalt  }
0x80: {  	_ =	shalt  }
0x81: {  	_ =	shalt  }
0x82: {  	_ =	shalt  }
0x83: {  	_ =	shalt  }
0x84: {  	_ =	shalt  }
0x85: {  	_ =	shalt  }
0x86: {  	_ =	shalt  }
0x87: {  	_ =	shalt  }
.Lfunc_end0:
.L_simem_size_0:
called_computation.2_lowered:
.L_overlay_start_0:
0x88: {  	s2 =	sld [smem:$0x3FD9]  }
0x89: {  	s3 =	sld [smem:$0x3FFE];
	_ =	sdelay $0x1  }
0x8a: {  	s1 =	srdreg.scid  }
0x8b: {  	s0 =	sand.u32 $0x1, s1  }
0x8c: {  	s17 =	sshll.u32 s0, $0xA;
	s2 =	sadd.s32 s3, s2  }
0x8d: {  	s2 =	sadd.s32 s2, s17  }
0x8e: {  	[smem:$0x3FC4] =	sst s2  }
0x8f: {  	_ = 	snop  }
0x90: {  	s2 =	sld [smem:$0x3FD0];
	(tm) =	ssettm $0x1  }
0x91: {  	s18 =	sld [smem:$0x3FFB];
	_ =	sdelay $0x3  }
0x92: {  	_ =	strace s18  }
0x93: {  	s3 =	sld [smem:$0x3FFC];
	_ =	sdelay $0x3  }
0x94: {  	_ =	strace s3  }
0x95: {  	s3 =	sld [smem:$0x3FFD];
	_ =	sdelay $0x3  }
0x96: {  	_ =	strace s3  }
0x97: {  	_ =	strace $0x8FFFFFFF  }
0x98: {  	s19 =	sld [smem:$0x3FDB];
	_ =	sdelay $0x1  }
0x99: {  	s4 =	simm.s32 $_scs_section_size  }
0x9a: {  	s5 =	simm.s32 $_size__tile_overlayer_lowered;
	s6 =	simm.s32 $_tile_overlayer_lowered  }
0x9b: {  	s22 =	simm.s32 $0x1BFF;
	s21 =	sshll.u32 s6, $0x1;
	s3 =	sadd.s32 s4, s19  }
0x9c: {  	s7 =	simm.s32 $0x0;
	s20 =	sshll.u32 s5, $0x1;
	s5 =	sadd.s32 s21, s3  }
0x9d: {  	[timem:s7], [sflag:s22] =	dma.local [hbm:s5], s20  }
0x9e: {  	_ =	swait.ge [sflag:s22], s20  }
0x9f: {  	s4 =	ssub.s32 $0x0, s20;
	[sflag:s22] =	ssyncset.done $0x0  }
0xa0: {  	[sflag:s22] =	ssyncadd.s32 s4;
	_ =	sdelay $0x1  }
0xa1: {  	s23 =	simm.s32 $0x1B8B  }
0xa2: {  	_ =	swait.ge [sflag:s23], $0x1  }
0xa3: {  	[sflag:s23] =	ssyncset.done $0x0  }
0xa4: {  	s25 =	simm.s32 $0x1B8E;
	s24 =	sld [smem:$0x3FFE];
	[sflag:s23] =	ssyncadd.s32 $0xFFFFFFFF  }
0xa5: {  	s26 =	simm.s32 $execute0_lowered;
	[smem:$0x3FD2] =	sst s25  }
0xa6: {  	s5 =	sshll.u32 s26, $0x1;
	_ =	strace $0x8000004C;
	[dreg:$0x1] =	wrdreg $0xFFFFFFFF  }
0xa7: {  	s28 =	simm.s32 $_size_execute0_lowered;
	s3 =	sadd.s32 s3, s5;
	[dreg:$0x0] =	wrdreg $0x0  }
0xa8: {  	s5 =	sshll.u32 s28, $0x1;
	[dreg:$0x2] =	wrdreg s3  }
0xa9: {  	[dreg:$0x3] =	wrdreg s5  }
0xaa: {  	[dreg:$0x4] =	wrdreg $0xC0  }
0xab: {  	_ =	task [dreg:s7], $0x5FFFF  }
0xac: {  	[dreg:$0x1] =	wrdreg $0xFFFFFFFF  }
0xad: {  	[dreg:$0x0] =	wrdreg $0x60  }
0xae: {  	[dreg:$0x2] =	wrdreg s24  }
0xaf: {  	[dreg:$0x3] =	wrdreg s2  }
0xb0: {  	[dreg:$0x4] =	wrdreg $0x7F800  }
0xb1: {  	[dreg:$0x5] =	wrdreg $0x9  }
0xb2: {  	_ =	task.clear_ibuf [dreg:s7], $0x6FFFF;
	_ =	strace $0x9000004C  }
0xb3: {  	s29 =	simm.s32 $0x9;
	_ =	strace $0x8000004E  }
0xb4: {  	_ =	swait.ge [sflag:s29], $0x1  }
0xb5: {  	[sflag:s29] =	ssyncadd.s32 $0xFFFFFFFF  }
0xb6: {  	_ =	strace $0x9000004E  }
0xb7: {  	_ =	sfence  }
0xb8: {  	s30 =	sld [smem:$0x0];
	_ =	sdelay $0x2  }
0xb9: {  	s31 =	sshll.u32 s1, $0xD;
	s1 =	sshrl.u32 s1, $0x2  }
0xba: {  	s3 =	sand.u32 $0x4000, s31;
	s1 =	sadd.s32 s1, s30  }
0xbb: {  	s0 =	sor.u32 s3, s0;
	s1 =	sshll.u32 s1, $0x11  }
0xbc: {  	s0 =	sor.u32 s1, s0  }
0xbd: {  	s0 =	sadd.s32 $0x8F2B, s0  }
0xbe: {  	[sflag:s0] =	ssyncadd.remote.s32 $0x1  }
0xbf: {  	_ =	sfence.sel $0xFFFF  }
0xc0: {  	[dreg:$0x0] =	wrdreg $0xFFFFFFFF;
	(pc) =	sbr.abs _section_cstart, $3  }
0xc1: {  	[dreg:$0x1] =	wrdreg $0xFFFFFFFF  }
0xc2: {  	_ =	task.clear_ibuf [dreg:s7], $0x2FFFF;
	_ =	strace $0x9FFFFFFF  }
0xc3: {  	(tm) =	ssettm $0x7FFFFFFF  }
tec
execute0_lowered:
.L_overlay_start_1:
0x0: {  	(tag) =	ssettag $0x1  }
0x1: {  	s1 =	srdreg.scid;
	s5 =	rddreg [dreg:$0x0]  }
0x2: {  	s0 =	stileid.u32;
	s2 =	rddreg [dreg:$0x1]  }
0x3: {  	s3 =	rddreg [dreg:$0x2];
	s4 =	simm.s32 $0x0;
	s13 =	simm.s32 $0x27C0  }
0x4: {  	s14 =	simm.s32 $0x60;
	s15 =	simm.s32 $0x4F80;
	s16 =	simm.s32 $0x6780  }
0x5: {  	s17 =	simm.s32 $0x1;
	s18 =	simm.s32 $0x4EC0;
	s19 =	simm.s32 $0x2760  }
0x6: {  	s20 =	simm.s32 $0x4F20;
	s21 =	simm.s32 $0x0;
	s6 =	sand.u32 $0x1, s1  }
0x7: {  	s29 =	sshll.u32 s0, $0x1;
	s8 =	smul.u32 $0xA000, s0;
	[smem:$0x7FF] =	sst s4  }
0x8: {  	s31 =	sshll.u32 s0, $0x6;
	s1 =	sor.u32 s6, s29;
	s9 =	smul.u32 $0xA0000, s6  }
0x9: {  	s6 =	ssub.s32 $0x2, s6;
	s7 =	smul.u32 $0x4F8, s1;
	s1 =	rddreg [dreg:$0x3]  }
0xa: {  	_ =	strace $0x8000004D;
	s30 =	sshrl.u32 s8, $0x3;
	s11 =	sshrl.u32 s6, $0x1  }
0xb: {  	s12 =	sadd.s32 s8, s3;
	s9 =	sadd.s32 s8, s9;
	s11 =	ssub.s32 s6, s11  }
0xc: {  	s10 =	sadd.s32 s7, s5;
	s7 =	sadd.s32 s30, s5;
	s9 =	sshrl.u32 s9, $0x3  }
0xd: {  	s6 =	sor.u32 $0x1C02, s31;
	s9 =	sadd.s32 s9, s5;
	s5 =	sadd.s32 $0xC000, s7  }
0xe: {  	s7 =	sadd.s32 $0x20400, s10;
	s8 =	sadd.s32 $0x2000, s10;
	s10 =	smax.u32 s11, $0x1  }
0xf: {  	s11 =	sshrl.u32 s12, $0x3;
	s12 =	simm.s32 $0x2;
	s9 =	sadd.s32 $0x2A400, s9  }
.LBB2_1:
0x10: {  	[spmem:s11], [sflag:s6] =	dma.local [hbm:s5], $0x1400  }
0x11: {  	_ =	swait.ge [sflag:s12], $0x1400  }
0x12: {  	[sflag:s12] =	ssyncset.done $0x0  }
0x13: {  	[sflag:s12] =	ssyncadd.s32 $0xFFFFEC00  }
0x14: {  	[tilespmem:s4], [sflag:$0x2] =	stream.linear.gather [hbm4b:s7+s4], $0x27C0, $0x38;
	[tilespmem:$0x11F80] =	vst v63  }
0x15: {  	_ =	swait.ge [sflag:s12], $0x27C0  }
0x16: {  	[sflag:s12] =	ssyncset.done $0x0  }
0x17: {  	[sflag:s12] =	ssyncadd.s32 $0xFFFFD840  }
0x18: {  	[tilespmem:s13], [sflag:$0x2] =	stream.linear.gather [hbm4b:s8+s4], $0x27C0, $0x38;
	[tilespmem:$0x11F80] =	vst v63  }
0x19: {  	_ =	swait.ge [sflag:s12], $0x27C0  }
0x1a: {  	[sflag:s12] =	ssyncset.done $0x0  }
0x1b: {  	[sflag:s12] =	ssyncadd.s32 $0xFFFFD840  }
0x1c: {  	[bflag:$0x0] =	sbarrier.arrive $0xFFFF  }
0x1d: {  	[tilespmem:s15], [sflag:$0x2] =	stream.indirect.gather [hbm4b:s2+s14], $0x40, s4, s14, $0xb8;
	[tilespmem:$0x11F80] =	vst v63  }
0x1e: {  	_ =	swait.ge [sflag:s12], $0x1800  }
0x1f: {  	[sflag:s12] =	ssyncset.done $0x0  }
0x20: {  	s22 =	simm.s32 $0x27C0;
	[sflag:s12] =	ssyncadd.s32 $0xFFFFE800  }
0x21: {  	[spmem:s3] =	stream.indirect.scatter.add.f32 [tilespmem:s15], [sflag:$0x1], $0x40, s22, s14, $0xb8;
	[tilespmem:$0x11F80] =	vst v63  }
0x22: {  	s29 =	simm.s32 $0x60  }
0x23: {  	[tilespmem:s16], [sflag:$0x2] =	stream.indirect.gather [hbm4b:s2+s14], $0x40, s29, s14, $0xb8;
	[tilespmem:$0x11F80] =	vst v63  }
0x24: {  	_ =	swait.ge [sflag:s12], $0x1800  }
0x25: {  	[sflag:s12] =	ssyncset.done $0x0  }
0x26: {  	[sflag:s12] =	ssyncadd.s32 $0xFFFFE800  }
0x27: {  	_ =	swait.ge [sflag:s17], $0x1800  }
0x28: {  	[sflag:s17] =	ssyncset.done $0x0  }
0x29: {  	s30 =	simm.s32 $0x2820;
	[sflag:s17] =	ssyncadd.s32 $0xFFFFE800  }
0x2a: {  	[spmem:s3] =	stream.indirect.scatter.add.f32 [tilespmem:s16], [sflag:$0x1], $0x40, s30, s14, $0xb8;
	[tilespmem:$0x11F80] =	vst v63  }
0x2b: {  	s31 =	simm.s32 $0xC0  }
0x2c: {  	[tilespmem:s15], [sflag:$0x2] =	stream.indirect.gather [hbm4b:s2+s14], $0x40, s31, s14, $0xb8;
	[tilespmem:$0x11F80] =	vst v63  }
0x2d: {  	_ =	swait.ge [sflag:s12], $0x1800  }
0x2e: {  	[sflag:s12] =	ssyncset.done $0x0  }
0x2f: {  	[sflag:s12] =	ssyncadd.s32 $0xFFFFE800  }
0x30: {  	_ =	swait.ge [sflag:s17], $0x1800  }
0x31: {  	s23 =	simm.s32 $0x600;
	s22 =	simm.s32 $0xC0;
	[sflag:s17] =	ssyncset.done $0x0  }
.LBB2_2:
0x32: {  	s24 =	sadd.s32 $0x27C0, s22  }
0x33: {  	[sflag:s17] =	ssyncadd.s32 $0xFFFFE800;
	s25 =	smov.u32 s23;
	s26 =	sadd.s32 $0x300, s23  }
0x34: {  	[spmem:s3] =	stream.indirect.scatter.add.f32 [tilespmem:s15], [sflag:$0x1], $0x40, s24, s14, $0xb8;
	[tilespmem:$0x11F80] =	vst v63  }
0x35: {  	p0 =	sne.s32 s23, $0x9900;
	s23 =	sadd.s32 $0x60, s22  }
0x36: {  	[tilespmem:s16], [sflag:$0x2] =	stream.indirect.gather [hbm4b:s2+s14], $0x40, s23, s14, $0xb8;
	[tilespmem:$0x11F80] =	vst v63  }
0x37: {  	_ =	swait.ge [sflag:s12], $0x1800  }
0x38: {  	[sflag:s12] =	ssyncset.done $0x0  }
0x39: {  	[sflag:s12] =	ssyncadd.s32 $0xFFFFE800  }
0x3a: {  	_ =	swait.ge [sflag:s17], $0x1800  }
0x3b: {  	[sflag:s17] =	ssyncset.done $0x0  }
0x3c: {  	s23 =	sadd.s32 $0x2820, s22;
	[sflag:s17] =	ssyncadd.s32 $0xFFFFE800  }
0x3d: {  	[spmem:s3] =	stream.indirect.scatter.add.f32 [tilespmem:s16], [sflag:$0x1], $0x40, s23, s14, $0xb8;
	[tilespmem:$0x11F80] =	vst v63  }
0x3e: {  	s22 =	sadd.s32 $0xC0, s22  }
0x3f: {  	[tilespmem:s15], [sflag:$0x2] =	stream.indirect.gather [hbm4b:s2+s14], $0x40, s22, s14, $0xb8;
	[tilespmem:$0x11F80] =	vst v63  }
.Ltmp0:
0x40: {  	_ =	swait.ge [sflag:s12], $0x1800;
	(pc) =	sbr.rel @p0 .LBB2_2-.Ltmp0, $4  }
0x41: {  	[sflag:s12] =	ssyncset.done $0x0  }
0x42: {  	[sflag:s12] =	ssyncadd.s32 $0xFFFFE800  }
0x43: {  	_ =	swait.ge [sflag:s17], $0x1800  }
0x44: {  	s23 =	smov.u32 s26;
	s22 =	sshra.s32 s25, $0x2;
	[sflag:s17] =	ssyncset.done $0x0  }
0x45: {  	s23 =	sadd.s32 $0x27C0, s22;
	[sflag:s17] =	ssyncadd.s32 $0xFFFFE800  }
0x46: {  	[spmem:s3] =	stream.indirect.scatter.add.f32 [tilespmem:s15], [sflag:$0x1], $0x40, s23, s14, $0xb8;
	[tilespmem:$0x11F80] =	vst v63  }
0x47: {  	s29 =	sadd.s32 $0x60, s22  }
0x48: {  	[tilespmem:s16], [sflag:$0x2] =	stream.indirect.gather [hbm4b:s2+s14], $0x40, s29, s14, $0xb8;
	[tilespmem:$0x11F80] =	vst v63  }
0x49: {  	_ =	swait.ge [sflag:s12], $0x1800  }
0x4a: {  	[sflag:s12] =	ssyncset.done $0x0  }
0x4b: {  	[sflag:s12] =	ssyncadd.s32 $0xFFFFE800  }
0x4c: {  	_ =	swait.ge [sflag:s17], $0x1800  }
0x4d: {  	[sflag:s17] =	ssyncset.done $0x0  }
0x4e: {  	s30 =	sadd.s32 $0x2820, s22;
	[sflag:s17] =	ssyncadd.s32 $0xFFFFE800  }
0x4f: {  	[spmem:s3] =	stream.indirect.scatter.add.f32 [tilespmem:s16], [sflag:$0x1], $0x40, s30, s14, $0xb8;
	[tilespmem:$0x11F80] =	vst v63  }
0x50: {  	s31 =	sadd.s32 $0xC0, s22  }
0x51: {  	[tilespmem:s15], [sflag:$0x2] =	stream.indirect.gather [hbm4b:s2+s14], $0x40, s31, s14, $0xb8;
	[tilespmem:$0x11F80] =	vst v63  }
0x52: {  	_ =	swait.ge [sflag:s12], $0x1800  }
0x53: {  	[sflag:s12] =	ssyncset.done $0x0  }
0x54: {  	[sflag:s12] =	ssyncadd.s32 $0xFFFFE800  }
0x55: {  	_ =	swait.ge [sflag:s17], $0x1800  }
0x56: {  	[sflag:s17] =	ssyncset.done $0x0  }
0x57: {  	[sflag:s17] =	ssyncadd.s32 $0xFFFFE800  }
0x58: {  	[spmem:s3] =	stream.indirect.scatter.add.f32 [tilespmem:s15], [sflag:$0x1], $0x40, s18, s14, $0xb8;
	[tilespmem:$0x11F80] =	vst v63  }
0x59: {  	_ = 	snop  }
0x5a: {  	[tilespmem:s16], [sflag:$0x2] =	stream.indirect.gather [hbm4b:s2+s14], $0x40, s19, s14, $0xb8;
	[tilespmem:$0x11F80] =	vst v63  }
0x5b: {  	_ =	swait.ge [sflag:s12], $0x1800  }
0x5c: {  	[sflag:s12] =	ssyncset.done $0x0  }
0x5d: {  	[sflag:s12] =	ssyncadd.s32 $0xFFFFE800  }
0x5e: {  	_ =	swait.ge [sflag:s17], $0x1800  }
0x5f: {  	[sflag:s17] =	ssyncset.done $0x0  }
0x60: {  	[sflag:s17] =	ssyncadd.s32 $0xFFFFE800  }
0x61: {  	[spmem:s3] =	stream.indirect.scatter.add.f32 [tilespmem:s16], [sflag:$0x1], $0x40, s20, s14, $0xb8;
	[tilespmem:$0x11F80] =	vst v63  }
0x62: {  	_ =	swait.ge [sflag:s17], $0x1800  }
0x63: {  	s21 =	sadd.s32 $0x1, s21;
	[sflag:s17] =	ssyncset.done $0x0  }
0x64: {  	p0 =	sne.s32 s21, s10;
	[sflag:s17] =	ssyncadd.s32 $0xFFFFE800  }
.Ltmp1:
0x65: {  	[bflag:$0x0] =	sbarrier.arrive $0xFFFF;
	(pc) =	sbr.rel @p0 .LBB2_1-.Ltmp1, $4  }
0x66: {  	[hbm:s9], [sflag:s6] =	dma.local [spmem:s11], $0x1400  }
0x67: {  	_ =	swait.ge [sflag:s12], $0x1400  }
0x68: {  	[sflag:s12] =	ssyncset.done $0x0  }
0x69: {  	[sflag:s12] =	ssyncadd.s32 $0xFFFFEC00  }
0x6a: {  	_ =	sfence.sel $0x180000  }
0x6b: {  	[bflag:$0x0] =	sbarrier.arrive $0xFFFF  }
0x6c: {  	p0 =	sne.s32 s0, $0x0;
	_ =	strace $0x9000004D  }
0x6d: {  	s0 =	sadd.s32 @!p0 $0x100000, s1;
	[bflag:$0x2] =	sbarrier.arrive $0xFFFF  }
0x6e: {  	[sflag:s0] =	ssyncadd.tile.s32 @!p0 $0x1;
	_ =	shalt  }
.Lfunc_end2:
_tile_overlayer_lowered:
.L_overlay_start_2:
0x6f: {  	(tag) =	ssettag $0x2  }
0x70: {  	s0 =	rddreg [dreg:$0x0];
	s2 =	stileid.u32  }
0x71: {  	s1 =	rddreg [dreg:$0x1];
	p0 =	sne.s32 s2, $0x0  }
0x72: {  	s3 =	rddreg [dreg:$0x2];
	[bflag:$0x3] =	sbarrier.arrive $0xFFFF;
	s2 =	simm.s32 @!p0 $0x1C02  }
0x73: {  	[timem:s3], [sflag:s2] =	dma.local @!p0 [hbm:s0], s1  }
0x74: {  	s0 =	simm.s32 @!p0 $0x2  }
0x75: {  	_ =	swait.ge @!p0 [sflag:s0], s1  }
0x76: {  	s1 =	ssub.s32 @!p0 $0x0, s1;
	[sflag:s0] =	ssyncset.done @!p0 $0x0  }
0x77: {  	[sflag:s0] =	ssyncadd.s32 @!p0 s1  }
0x78: {  	[bflag:$0x3] =	sbarrier.arrive $0xFFFF  }
0x79: {  	_ =	shalt  }

// kernel: kernel.8.cloned.1.call-start
scs
__scs_entry_jumppad:
0x0: {  	(pc) =	sbr.rel $0x88, $3  }
0x1: {  	(tag) =	ssettag $0x0;
	lr =	simm.s32 $0x1  }
0x2: {  	[smem:$0x3F9D] =	sst lr;
	_ =	strace $0xD0000000  }
0x3: {  	_ = 	snop  }
0x4: {  	_ = 	snop  }
0x5: {  	_ = 	snop  }
0x6: {  	_ = 	snop  }
0x7: {  	_ = 	snop  }
__scs_overlays_trampoline_lowered:
0x8: {  	[smem:$0x3FAC] =	sst s0  }
0x9: {  	[smem:$0x3FAD] =	sst s1  }
0xa: {  	[smem:$0x3FAE] =	sst s2  }
0xb: {  	[smem:$0x3FAF] =	sst s3  }
0xc: {  	[smem:$0x3FB0] =	sst s4  }
0xd: {  	[smem:$0x3FB1] =	sst s5  }
0xe: {  	[smem:$0x3FB2] =	sst s6  }
0xf: {  	[smem:$0x3FB3] =	sst s7  }
0x10: {  	[smem:$0x3FB4] =	sst s8  }
0x11: {  	[smem:$0x3FB5] =	sst s9;
	s0 =	simm.s32 @!p0 $0x0  }
0x12: {  	s1 =	sld [smem:$0x3F9B];
	s0 =	simm.s32 @p0 $0x1  }
0x13: {  	[smem:$0x3FB6] =	sst s0;
	s0 =	simm.s32 @!p1 $0x0  }
0x14: {  	s2 =	sld [smem:$0x3F9A];
	s0 =	simm.s32 @p1 $0x1  }
0x15: {  	[smem:$0x3FB7] =	sst s0;
	s0 =	simm.s32 @!p2 $0x0  }
0x16: {  	s3 =	sld [smem:$0x3FDB];
	s0 =	simm.s32 @p2 $0x1  }
0x17: {  	s4 =	simm.s32 $0x1BF5;
	[smem:$0x3FB9] =	sst s0  }
0x18: {  	s0 =	sld [smem:$0x3F9C];
	_ =	swait.ge [sflag:s4], $0x0  }
0x19: {  	s7 =	sld [smem:$0x3F9D]  }
0x1a: {  	s8 =	sadd.s32 $0xFFFFE003, lr  }
0x1b: {  	s9 =	sadd.s32 $0xFFFFFEF7, lr;
	s5 =	simm.s32 $0xFFFFFFFF;
	p2 =	slt.u32 s8, $0xFFFFF086  }
0x1c: {  	p1 =	slt.u32 s9, $0xF7A;
	s5 =	simm.s32 @!p2 $0x0  }
0x1d: {  	s5 =	simm.s32 @p1 $0x1;
	p0 =	seq.s32 s7, s2  }
0x1e: {  	s7 =	smul.u32 @!p0 $0xF7A, s2;
	p2 =	seq.s32 @!p0 s5, $0x0  }
0x1f: {  	s9 =	smul.u32 $0xF7A, s1;
	s8 =	simm.s32 @!p0 $0x1BF5;
	p2 =	por !p2, p0  }
0x20: {  	[sflag:s8] =	ssyncset.s32 @!p0 $0xFFFFF086;
	s6 =	sadd.s32 @!p0 s3, s7;
	s7 =	simm.s32 @!p0 $0x108  }
0x21: {  	s3 =	sadd.s32 s3, s9;
	s6 =	sadd.s32 @!p0 $0x88, s6;
	s7 =	simm.s32 @p2 $0x1082  }
0x22: {  	[simem:s7], [sflag:s8] =	dma.local @!p0 [hbm:s6], $0xF7A  }
0x23: {  	s9 =	sor.u32 $0xD0000000, s2;
	s6 =	simm.s32 $0x108;
	_ =	swait.ge @!p0 [sflag:s8], $0x0  }
0x24: {  	s3 =	sadd.s32 $0x88, s3;
	s6 =	simm.s32 @!p1 $0x1082;
	[sflag:s4] =	ssyncset.s32 $0xFFFFF086  }
0x25: {  	[simem:s6], [sflag:s4] =	dma.local [hbm:s3], $0xF7A  }
0x26: {  	[smem:$0x3F9D] =	sst s1;
	(tag) =	ssettag s2;
	_ =	strace s9  }
0x27: {  	s1 =	sld [smem:$0x3FAD]  }
0x28: {  	s2 =	sld [smem:$0x3FAE]  }
0x29: {  	s4 =	sld [smem:$0x3FB0]  }
0x2a: {  	p0 =	seq.s32 s5, $0x0;
	s5 =	sld [smem:$0x3FB1]  }
0x2b: {  	s6 =	sld [smem:$0x3FB2]  }
0x2c: {  	s7 =	sld [smem:$0x3FB3]  }
0x2d: {  	s3 =	simm.s32 $0x108;
	s8 =	sld [smem:$0x3FB4]  }
0x2e: {  	s3 =	simm.s32 @!p0 $0x1082;
	s9 =	sld [smem:$0x3FB5]  }
0x2f: {  	lr =	sadd.s32 s0, s3;
	s0 =	sld [smem:$0x3FAC]  }
0x30: {  	s3 =	sld [smem:$0x3FAF]  }
0x31: {  	[smem:$0x3FB8] =	sst s10  }
0x32: {  	s10 =	sld [smem:$0x3FB6];
	_ =	sdelay $0x3  }
0x33: {  	p0 =	seq.s32 s10, $0x1;
	s10 =	sld [smem:$0x3FB8];
	_ =	sdelay $0x3  }
0x34: {  	[smem:$0x3FB8] =	sst s10  }
0x35: {  	s10 =	sld [smem:$0x3FB7];
	_ =	sdelay $0x3  }
0x36: {  	p1 =	seq.s32 s10, $0x1;
	s10 =	sld [smem:$0x3FB8];
	_ =	sdelay $0x3  }
0x37: {  	[smem:$0x3FB8] =	sst s10  }
0x38: {  	s10 =	sld [smem:$0x3FB9]  }
0x39: {  	_ = 	snop;
	(pc) =	sbr.ind lr, $3  }
0x3a: {  	_ = 	snop  }
0x3b: {  	_ = 	snop  }
0x3c: {  	p2 =	seq.s32 s10, $0x1;
	s10 =	sld [smem:$0x3FB8]  }
0x3d: {  	_ =	shalt  }
0x3e: {  	_ =	shalt  }
0x3f: {  	_ =	shalt  }
0x40: {  	_ =	shalt  }
0x41: {  	_ =	shalt  }
0x42: {  	_ =	shalt  }
0x43: {  	_ =	shalt  }
0x44: {  	_ =	shalt  }
0x45: {  	_ =	shalt  }
0x46: {  	_ =	shalt  }
0x47: {  	_ =	shalt  }
0x48: {  	_ =	shalt  }
0x49: {  	_ =	shalt  }
0x4a: {  	_ =	shalt  }
0x4b: {  	_ =	shalt  }
0x4c: {  	_ =	shalt  }
0x4d: {  	_ =	shalt  }
0x4e: {  	_ =	shalt  }
0x4f: {  	_ =	shalt  }
0x50: {  	_ =	shalt  }
0x51: {  	_ =	shalt  }
0x52: {  	_ =	shalt  }
0x53: {  	_ =	shalt  }
0x54: {  	_ =	shalt  }
0x55: {  	_ =	shalt  }
0x56: {  	_ =	shalt  }
0x57: {  	_ =	shalt  }
0x58: {  	_ =	shalt  }
0x59: {  	_ =	shalt  }
0x5a: {  	_ =	shalt  }
0x5b: {  	_ =	shalt  }
0x5c: {  	_ =	shalt  }
0x5d: {  	_ =	shalt  }
0x5e: {  	_ =	shalt  }
0x5f: {  	_ =	shalt  }
0x60: {  	_ =	shalt  }
0x61: {  	_ =	shalt  }
0x62: {  	_ =	shalt  }
0x63: {  	_ =	shalt  }
0x64: {  	_ =	shalt  }
0x65: {  	_ =	shalt  }
0x66: {  	_ =	shalt  }
0x67: {  	_ =	shalt  }
0x68: {  	_ =	shalt  }
0x69: {  	_ =	shalt  }
0x6a: {  	_ =	shalt  }
0x6b: {  	_ =	shalt  }
0x6c: {  	_ =	shalt  }
0x6d: {  	_ =	shalt  }
0x6e: {  	_ =	shalt  }
0x6f: {  	_ =	shalt  }
0x70: {  	_ =	shalt  }
0x71: {  	_ =	shalt  }
0x72: {  	_ =	shalt  }
0x73: {  	_ =	shalt  }
0x74: {  	_ =	shalt  }
0x75: {  	_ =	shalt  }
0x76: {  	_ =	shalt  }
0x77: {  	_ =	shalt  }
0x78: {  	_ =	shalt  }
0x79: {  	_ =	shalt  }
0x7a: {  	_ =	shalt  }
0x7b: {  	_ =	shalt  }
0x7c: {  	_ =	shalt  }
0x7d: {  	_ =	shalt  }
0x7e: {  	_ =	shalt  }
0x7f: {  	_ =	shalt  }
0x80: {  	_ =	shalt  }
0x81: {  	_ =	shalt  }
0x82: {  	_ =	shalt  }
0x83: {  	_ =	shalt  }
0x84: {  	_ =	shalt  }
0x85: {  	_ =	shalt  }
0x86: {  	_ =	shalt  }
0x87: {  	_ =	shalt  }
.Lfunc_end0:
.L_simem_size_0:
called_computation_lowered:
.L_overlay_start_0:
0x88: {  	s2 =	sld [smem:$0x3FD9]  }
0x89: {  	s3 =	sld [smem:$0x3FFE];
	_ =	sdelay $0x1  }
0x8a: {  	s1 =	srdreg.scid  }
0x8b: {  	s0 =	sand.u32 $0x1, s1  }
0x8c: {  	s17 =	sshll.u32 s0, $0xA;
	s2 =	sadd.s32 s3, s2  }
0x8d: {  	s2 =	sadd.s32 s2, s17  }
0x8e: {  	[smem:$0x3FC4] =	sst s2  }
0x8f: {  	_ = 	snop  }
0x90: {  	s2 =	sld [smem:$0x3FD0];
	(tm) =	ssettm $0x1  }
0x91: {  	s18 =	sld [smem:$0x3FFB];
	_ =	sdelay $0x3  }
0x92: {  	_ =	strace s18  }
0x93: {  	s3 =	sld [smem:$0x3FFC];
	_ =	sdelay $0x3  }
0x94: {  	_ =	strace s3  }
0x95: {  	s3 =	sld [smem:$0x3FFD];
	_ =	sdelay $0x3  }
0x96: {  	_ =	strace s3  }
0x97: {  	_ =	strace $0x8FFFFFFF  }
0x98: {  	s19 =	sld [smem:$0x3FDB];
	_ =	sdelay $0x1  }
0x99: {  	s4 =	simm.s32 $_scs_section_size  }
0x9a: {  	s5 =	simm.s32 $_size__tile_overlayer_lowered;
	s6 =	simm.s32 $_tile_overlayer_lowered  }
0x9b: {  	s22 =	simm.s32 $0x1BFF;
	s21 =	sshll.u32 s6, $0x1;
	s3 =	sadd.s32 s4, s19  }
0x9c: {  	s7 =	simm.s32 $0x0;
	s20 =	sshll.u32 s5, $0x1;
	s5 =	sadd.s32 s21, s3  }
0x9d: {  	[timem:s7], [sflag:s22] =	dma.local [hbm:s5], s20  }
0x9e: {  	_ =	swait.ge [sflag:s22], s20  }
0x9f: {  	s4 =	ssub.s32 $0x0, s20;
	[sflag:s22] =	ssyncset.done $0x0  }
0xa0: {  	[sflag:s22] =	ssyncadd.s32 s4;
	_ =	sdelay $0x1  }
0xa1: {  	s23 =	simm.s32 $0x1B8B  }
0xa2: {  	_ =	swait.ge [sflag:s23], $0x1  }
0xa3: {  	[sflag:s23] =	ssyncset.done $0x0  }
0xa4: {  	s25 =	simm.s32 $0x1B8E;
	s24 =	sld [smem:$0x3FFE];
	[sflag:s23] =	ssyncadd.s32 $0xFFFFFFFF  }
0xa5: {  	s26 =	simm.s32 $execute0_lowered;
	[smem:$0x3FD2] =	sst s25  }
0xa6: {  	s5 =	sshll.u32 s26, $0x1;
	_ =	strace $0x80000046;
	[dreg:$0x1] =	wrdreg $0xFFFFFFFF  }
0xa7: {  	s28 =	simm.s32 $_size_execute0_lowered;
	s3 =	sadd.s32 s3, s5;
	[dreg:$0x0] =	wrdreg $0x0  }
0xa8: {  	s5 =	sshll.u32 s28, $0x1;
	[dreg:$0x2] =	wrdreg s3  }
0xa9: {  	[dreg:$0x3] =	wrdreg s5  }
0xaa: {  	[dreg:$0x4] =	wrdreg $0xC0  }
0xab: {  	_ =	task [dreg:s7], $0x5FFFF  }
0xac: {  	[dreg:$0x1] =	wrdreg $0xFFFFFFFF  }
0xad: {  	[dreg:$0x0] =	wrdreg $0x60  }
0xae: {  	[dreg:$0x2] =	wrdreg s24  }
0xaf: {  	[dreg:$0x3] =	wrdreg s2  }
0xb0: {  	[dreg:$0x4] =	wrdreg $0x3FC00  }
0xb1: {  	[dreg:$0x5] =	wrdreg $0x9  }
0xb2: {  	_ =	task.clear_ibuf [dreg:s7], $0x6FFFF;
	_ =	strace $0x90000046  }
0xb3: {  	s29 =	simm.s32 $0x9;
	_ =	strace $0x80000048  }
0xb4: {  	_ =	swait.ge [sflag:s29], $0x1  }
0xb5: {  	[sflag:s29] =	ssyncadd.s32 $0xFFFFFFFF  }
0xb6: {  	_ =	strace $0x90000048  }
0xb7: {  	_ =	sfence  }
0xb8: {  	s30 =	sld [smem:$0x0];
	_ =	sdelay $0x2  }
0xb9: {  	s31 =	sshll.u32 s1, $0xD;
	s1 =	sshrl.u32 s1, $0x2  }
0xba: {  	s3 =	sand.u32 $0x4000, s31;
	s1 =	sadd.s32 s1, s30  }
0xbb: {  	s0 =	sor.u32 s3, s0;
	s1 =	sshll.u32 s1, $0x11  }
0xbc: {  	s0 =	sor.u32 s1, s0  }
0xbd: {  	s0 =	sadd.s32 $0x8F2B, s0  }
0xbe: {  	[sflag:s0] =	ssyncadd.remote.s32 $0x1  }
0xbf: {  	_ =	sfence.sel $0xFFFF  }
0xc0: {  	[dreg:$0x0] =	wrdreg $0xFFFFFFFF;
	(pc) =	sbr.abs _section_cstart, $3  }
0xc1: {  	[dreg:$0x1] =	wrdreg $0xFFFFFFFF  }
0xc2: {  	_ =	task.clear_ibuf [dreg:s7], $0x2FFFF;
	_ =	strace $0x9FFFFFFF  }
0xc3: {  	(tm) =	ssettm $0x7FFFFFFF  }
tec
execute0_lowered:
.L_overlay_start_1:
0x0: {  	(tag) =	ssettag $0x1  }
0x1: {  	s5 =	rddreg [dreg:$0x0]  }
0x2: {  	s8 =	rddreg [dreg:$0x1];
	s1 =	srdreg.scid  }
0x3: {  	s0 =	stileid.u32;
	s2 =	rddreg [dreg:$0x2]  }
0x4: {  	s3 =	simm.s32 $0x0;
	s14 =	simm.s32 $0xC0;
	s15 =	simm.s32 $0x1  }
0x5: {  	s16 =	simm.s32 $0x2760;
	s17 =	simm.s32 $0x8;
	s18 =	simm.s32 $0x0  }
0x6: {  	s4 =	sand.u32 $0x1, s1;
	s1 =	rddreg [dreg:$0x3];
	s7 =	smul.u32 $0xA000, s0  }
0x7: {  	s6 =	sshll.u32 s0, $0x1;
	[smem:$0x7FF] =	sst s3;
	s13 =	smul.u32 $0x2800, s0  }
0x8: {  	s30 =	sshll.u32 s0, $0x6;
	s6 =	sor.u32 s4, s6;
	_ =	strace $0x80000047  }
0x9: {  	s26 =	ssub.s32 $0x2, s4;
	s10 =	smul.u32 $0x28000, s4;
	s4 =	sadd.s32 $0x20000, s5  }
0xa: {  	s6 =	smul.u32 $0x4F8, s6;
	s11 =	sshrl.u32 s7, $0x3;
	s12 =	sshrl.u32 s26, $0x1  }
0xb: {  	s29 =	sadd.s32 s7, s2;
	s28 =	ssub.s32 s26, s12;
	s31 =	sadd.s32 s13, s10  }
0xc: {  	s12 =	simm.s32 $0x27C0;
	s13 =	simm.s32 $0x60;
	s9 =	sadd.s32 s6, s5  }
0xd: {  	s5 =	sadd.s32 s11, s5;
	s6 =	sor.u32 $0x1C02, s30;
	s10 =	sshrl.u32 s31, $0x3  }
0xe: {  	s11 =	simm.s32 $0x2;
	s5 =	sadd.s32 $0xC000, s5;
	s7 =	sadd.s32 $0x2000, s9  }
0xf: {  	s8 =	sadd.s32 s8, s10;
	s9 =	smax.u32 s28, $0x1;
	s10 =	sshrl.u32 s29, $0x3  }
.LBB2_1:
0x10: {  	[spmem:s10], [sflag:s6] =	dma.local [hbm:s5], $0x1400  }
0x11: {  	_ =	swait.ge [sflag:s11], $0x1400  }
0x12: {  	[sflag:s11] =	ssyncset.done $0x0  }
0x13: {  	[sflag:s11] =	ssyncadd.s32 $0xFFFFEC00  }
0x14: {  	[tilespmem:s12], [sflag:$0x2] =	stream.linear.gather [hbm4b:s4+s3], $0x1800, $0x38;
	[tilespmem:$0xDFC0] =	vst v63  }
0x15: {  	_ =	swait.ge [sflag:s11], $0x1800  }
0x16: {  	[sflag:s11] =	ssyncset.done $0x0  }
0x17: {  	[sflag:s11] =	ssyncadd.s32 $0xFFFFE800  }
0x18: {  	[tilespmem:s3], [sflag:$0x2] =	stream.linear.gather [hbm4b:s7+s3], $0x27C0, $0x38;
	[tilespmem:$0xDFC0] =	vst v63  }
0x19: {  	_ =	swait.ge [sflag:s11], $0x27C0  }
0x1a: {  	[sflag:s11] =	ssyncset.done $0x0  }
0x1b: {  	[sflag:s11] =	ssyncadd.s32 $0xFFFFD840  }
0x1c: {  	[bflag:$0x0] =	sbarrier.arrive $0xFFFF  }
0x1d: {  	[spmem:s2] =	stream.indirect.scatter.add.s32 [tilespmem:s12], [sflag:$0x1], $0x40, s3, s13, $0xb8;
	[tilespmem:$0xDFC0] =	vst v63  }
0x1e: {  	_ = 	snop  }
0x1f: {  	[spmem:s2] =	stream.indirect.scatter.add.s32 [tilespmem:s12], [sflag:$0x1], $0x40, s13, s13, $0xb8;
	[tilespmem:$0xDFC0] =	vst v63  }
0x20: {  	_ = 	snop  }
0x21: {  	[spmem:s2] =	stream.indirect.scatter.add.s32 [tilespmem:s12], [sflag:$0x1], $0x40, s14, s13, $0xb8;
	[tilespmem:$0xDFC0] =	vst v63  }
0x22: {  	s19 =	simm.s32 $0x120  }
0x23: {  	[spmem:s2] =	stream.indirect.scatter.add.s32 [tilespmem:s12], [sflag:$0x1], $0x40, s19, s13, $0xb8;
	[tilespmem:$0xDFC0] =	vst v63  }
0x24: {  	_ =	swait.ge [sflag:s15], $0x1800  }
0x25: {  	[sflag:s15] =	ssyncset.done $0x0  }
0x26: {  	s31 =	simm.s32 $0x180;
	[sflag:s15] =	ssyncadd.s32 $0xFFFFE800  }
0x27: {  	[spmem:s2] =	stream.indirect.scatter.add.s32 [tilespmem:s12], [sflag:$0x1], $0x40, s31, s13, $0xb8;
	[tilespmem:$0xDFC0] =	vst v63  }
0x28: {  	_ =	swait.ge [sflag:s15], $0x1800  }
0x29: {  	s20 =	simm.s32 $0xFFFF6D00;
	s19 =	simm.s32 $0xFFFFDA80;
	[sflag:s15] =	ssyncset.done $0x0  }
.LBB2_2:
0x2a: {  	s21 =	sadd.s32 $0x2760, s19  }
0x2b: {  	[sflag:s15] =	ssyncadd.s32 $0xFFFFE800;
	s22 =	smov.u32 s20;
	s23 =	sadd.s32 $0x300, s20  }
0x2c: {  	[spmem:s2] =	stream.indirect.scatter.add.s32 [tilespmem:s12], [sflag:$0x1], $0x40, s21, s13, $0xb8;
	[tilespmem:$0xDFC0] =	vst v63  }
0x2d: {  	p0 =	sne.s32 s20, $0xFFFFFD00;
	_ =	swait.ge [sflag:s15], $0x1800  }
.Ltmp0:
0x2e: {  	[sflag:s15] =	ssyncset.done $0x0;
	(pc) =	sbr.rel @p0 .LBB2_2-.Ltmp0, $4  }
0x2f: {  	s19 =	sadd.s32 $0x27C0, s19;
	[sflag:s15] =	ssyncadd.s32 $0xFFFFE800  }
0x30: {  	[spmem:s2] =	stream.indirect.scatter.add.s32 [tilespmem:s12], [sflag:$0x1], $0x40, s19, s13, $0xb8;
	[tilespmem:$0xDFC0] =	vst v63  }
0x31: {  	_ =	swait.ge [sflag:s15], $0x1800  }
0x32: {  	s20 =	smov.u32 s23;
	s19 =	sshra.s32 s22, $0x2;
	[sflag:s15] =	ssyncset.done $0x0  }
0x33: {  	s20 =	sadd.s32 $0x2760, s19;
	[sflag:s15] =	ssyncadd.s32 $0xFFFFE800  }
0x34: {  	[spmem:s2] =	stream.indirect.scatter.add.s32 [tilespmem:s12], [sflag:$0x1], $0x40, s20, s13, $0xb8;
	[tilespmem:$0xDFC0] =	vst v63  }
0x35: {  	_ =	swait.ge [sflag:s15], $0x1800  }
0x36: {  	[sflag:s15] =	ssyncset.done $0x0  }
0x37: {  	s31 =	sadd.s32 $0x27C0, s19;
	[sflag:s15] =	ssyncadd.s32 $0xFFFFE800  }
0x38: {  	[spmem:s2] =	stream.indirect.scatter.add.s32 [tilespmem:s12], [sflag:$0x1], $0x40, s31, s13, $0xb8;
	[tilespmem:$0xDFC0] =	vst v63  }
0x39: {  	_ =	swait.ge [sflag:s15], $0x1800  }
0x3a: {  	[sflag:s15] =	ssyncset.done $0x0  }
0x3b: {  	[sflag:s15] =	ssyncadd.s32 $0xFFFFE800  }
0x3c: {  	[spmem:s2] =	stream.indirect.scatter.add.s32 [tilespmem:s12], [sflag:$0x1], $0x40, s16, s13, $0xb8;
	[tilespmem:$0xDFC0] =	vst v63  }
0x3d: {  	_ =	swait.ge [sflag:s15], $0x1800  }
0x3e: {  	[sflag:s15] =	ssyncset.done $0x0  }
0x3f: {  	[sflag:s15] =	ssyncadd.s32 $0xFFFFE800  }
0x40: {  	_ =	swait.ge [sflag:s15], $0x1800  }
0x41: {  	[sflag:s15] =	ssyncset.done $0x0  }
0x42: {  	[sflag:s15] =	ssyncadd.s32 $0xFFFFE800  }
0x43: {  	_ =	swait.ge [sflag:s15], $0x1800  }
0x44: {  	[sflag:s15] =	ssyncset.done $0x0  }
0x45: {  	[sflag:s15] =	ssyncadd.s32 $0xFFFFE800  }
0x46: {  	_ =	swait.ge [sflag:s15], $0x1800  }
0x47: {  	s18 =	sadd.s32 $0x1, s18;
	[sflag:s15] =	ssyncset.done $0x0  }
0x48: {  	p0 =	sne.s32 s18, s9;
	[sflag:s15] =	ssyncadd.s32 $0xFFFFE800  }
.Ltmp1:
0x49: {  	[bflag:$0x0] =	sbarrier.arrive $0xFFFF;
	(pc) =	sbr.rel @p0 .LBB2_1-.Ltmp1, $4  }
0x4a: {  	[hbm:s8@s11], [sflag:s6] =	dma.strided [spmem:s10@s17], $0x500, s15, $0x2   }
0x4b: {  	_ =	swait.ge [sflag:s11], $0x500  }
0x4c: {  	[sflag:s11] =	ssyncset.done $0x0  }
0x4d: {  	[sflag:s11] =	ssyncadd.s32 $0xFFFFFB00  }
0x4e: {  	_ =	sfence.sel $0x180000  }
0x4f: {  	[bflag:$0x0] =	sbarrier.arrive $0xFFFF  }
0x50: {  	p0 =	sne.s32 s0, $0x0;
	_ =	strace $0x90000047  }
0x51: {  	s0 =	sadd.s32 @!p0 $0x100000, s1;
	[bflag:$0x2] =	sbarrier.arrive $0xFFFF  }
0x52: {  	[sflag:s0] =	ssyncadd.tile.s32 @!p0 $0x1;
	_ =	shalt  }
.Lfunc_end2:
_tile_overlayer_lowered:
.L_overlay_start_2:
0x53: {  	(tag) =	ssettag $0x2  }
0x54: {  	s0 =	rddreg [dreg:$0x0];
	s2 =	stileid.u32  }
0x55: {  	s1 =	rddreg [dreg:$0x1];
	p0 =	sne.s32 s2, $0x0  }
0x56: {  	s3 =	rddreg [dreg:$0x2];
	[bflag:$0x3] =	sbarrier.arrive $0xFFFF;
	s2 =	simm.s32 @!p0 $0x1C02  }
0x57: {  	[timem:s3], [sflag:s2] =	dma.local @!p0 [hbm:s0], s1  }
0x58: {  	s0 =	simm.s32 @!p0 $0x2  }
0x59: {  	_ =	swait.ge @!p0 [sflag:s0], s1  }
0x5a: {  	s1 =	ssub.s32 @!p0 $0x0, s1;
	[sflag:s0] =	ssyncset.done @!p0 $0x0  }
0x5b: {  	[sflag:s0] =	ssyncadd.s32 @!p0 s1  }
0x5c: {  	[bflag:$0x3] =	sbarrier.arrive $0xFFFF  }
0x5d: {  	_ =	shalt  }

</sc_bundles>
